<compile_context>
chip_gen: v7x
topology: tpu7x:2x2x1
jax: 0.10.2.dev20260603
libtpu: 0.0.44.dev20260713+nightly
codegen_flags: <defaults>
</compile_context>

<pallas_src>
import functools

import jax
import jax.numpy as jnp
from jax import lax
from jax.experimental import pallas as pl
from jax.experimental.pallas import tpu as pltpu
from jax.experimental.pallas import tpu_sc as plsc

N = 10000
C = 20000
NODE_TYPE_SIZE = 9
LATENT = 32
LPAD = 128

NC = 2
NS = 16
NW = NC * NS

E = 6 * C
PER_TILE = 3840
EPAD = NW * PER_TILE
CHUNK = 128
NCH = PER_TILE // CHUNK
QTR = PER_TILE // 4

TABLE = N * N + 8
DUMMY = N
MROWS = N + 112
ZROWS = MROWS // NS

_mesh = plsc.VectorSubcoreMesh(
    core_axis_name="c", subcore_axis_name="s", num_cores=NC, num_subcores=NS)


@functools.partial(
    pl.kernel,
    out_type=jax.ShapeDtypeStruct((TABLE,), jnp.int32),
    mesh=_mesh,
    scratch_types=[
        pltpu.VMEM((PER_TILE,), jnp.int32),
        pltpu.VMEM((PER_TILE,), jnp.int32),
        pltpu.VMEM((QTR,), jnp.int32),
        pltpu.VMEM((QTR,), jnp.int32),
        pltpu.VMEM((QTR,), jnp.int32),
        pltpu.VMEM((QTR,), jnp.int32),
        pltpu.VMEM((QTR,), jnp.int32),
        pltpu.VMEM((QTR,), jnp.int32),
        pltpu.VMEM((QTR,), jnp.int32),
        pltpu.VMEM((QTR,), jnp.int32),
        pltpu.SemaphoreType.DMA,
        pltpu.SemaphoreType.DMA,
        pltpu.SemaphoreType.DMA,
        pltpu.SemaphoreType.DMA,
    ],
)
def _sc_build_table(s_hbm, r_hbm, table_hbm, s_v, r_v,
                    k0, k1, k2, k3, i0, i1, i2, i3, m0, m1, m2, m3):
    cid = lax.axis_index("c")
    sid = lax.axis_index("s")
    wid = sid * NC + cid
    base = wid * PER_TILE
    pltpu.sync_copy(s_hbm.at[pl.ds(base, PER_TILE)], s_v)
    pltpu.sync_copy(r_hbm.at[pl.ds(base, PER_TILE)], r_v)

    lane = lax.iota(jnp.int32, 16)

    for q, (kq, iq) in enumerate(((k0, i0), (k1, i1), (k2, i2), (k3, i3))):
        def key_body(i, _, q=q, kq=kq, iq=iq):
            o = i * 16
            g = q * QTR + o
            sv = s_v[pl.ds(g, 16)]
            rv = r_v[pl.ds(g, 16)]
            kq[pl.ds(o, 16)] = sv * N + rv
            iq[pl.ds(o, 16)] = (base + g) + lane
            return 0
        lax.fori_loop(0, QTR // 16, key_body, 0)

    cps = [pltpu.async_copy(iq, table_hbm.at[kq], mq)
           for kq, iq, mq in ((k0, i0, m0), (k1, i1, m1),
                              (k2, i2, m2), (k3, i3, m3))]
    for cp in cps:
        cp.wait()


@functools.partial(
    pl.kernel,
    out_type=jax.ShapeDtypeStruct((NC * MROWS, LPAD), jnp.float32),
    mesh=_mesh,
    scratch_types=[
        pltpu.VMEM((PER_TILE,), jnp.int32),
        pltpu.VMEM((PER_TILE,), jnp.int32),
        pltpu.VMEM((PER_TILE,), jnp.int32),
        pltpu.VMEM((NCH, CHUNK), jnp.int32),
        pltpu.VMEM((2, CHUNK, LPAD), jnp.float32),
        pltpu.VMEM_SHARED((MROWS, LPAD), jnp.float32),
        pltpu.SemaphoreType.DMA,
        pltpu.SemaphoreType.DMA,
    ],
)
def _sc_aggregate(s_hbm, r_hbm, table_hbm, h_hbm, zeros_hbm, out_hbm,
                  s_v, r_v, keys_v, sidx_v, hrows_v, msg_sh,
                  sem0, sem1):
    cid = lax.axis_index("c")
    sid = lax.axis_index("s")
    wid = sid * NC + cid
    base = wid * PER_TILE

    pltpu.sync_copy(zeros_hbm.at[pl.ds(sid * ZROWS, ZROWS)],
                    msg_sh.at[pl.ds(sid * ZROWS, ZROWS)])
    plsc.subcore_barrier()

    pltpu.sync_copy(s_hbm.at[pl.ds(base, PER_TILE)], s_v)
    pltpu.sync_copy(r_hbm.at[pl.ds(base, PER_TILE)], r_v)

    lane = lax.iota(jnp.int32, 16)

    def key_body(i, _):
        o = i * 16
        sv = s_v[pl.ds(o, 16)]
        rv = r_v[pl.ds(o, 16)]
        keys_v[pl.ds(o, 16)] = sv * N + rv
        sidx_v[lax.div(o, CHUNK), pl.ds(lax.rem(o, CHUNK), 16)] = sv
        return 0
    lax.fori_loop(0, PER_TILE // 16, key_body, 0)

    cps = [pltpu.async_copy(table_hbm.at[keys_v.at[pl.ds(q * QTR, QTR)]],
                            s_v.at[pl.ds(q * QTR, QTR)], sem0 if q % 2 == 0
                            else sem1)
           for q in range(4)]
    for cp in cps:
        cp.wait()

    def mask_body(i, _):
        o = i * 16
        wv = s_v[pl.ds(o, 16)]
        ev = (base + o) + lane
        j = lax.div(o, CHUNK)
        k = lax.rem(o, CHUNK)
        cur = sidx_v[j, pl.ds(k, 16)]
        sidx_v[j, pl.ds(k, 16)] = jnp.where(wv == ev, cur, DUMMY)
        return 0
    lax.fori_loop(0, PER_TILE // 16, mask_body, 0)

    def gather(j, buf, sem):
        pltpu.async_copy(
            h_hbm.at[r_v.at[pl.ds(j * CHUNK, CHUNK)]], hrows_v.at[buf], sem)

    def wait(j, buf, sem):
        pltpu.make_async_copy(
            h_hbm.at[r_v.at[pl.ds(j * CHUNK, CHUNK)]], hrows_v.at[buf],
            sem).wait()

    def sadd(j, buf):
        pltpu.sync_copy(hrows_v.at[buf], msg_sh.at[sidx_v.at[j]], add=True)

    gather(0, 0, sem0)

    def agg_body(t, _):
        j0 = 2 * t
        j1 = 2 * t + 1
        gather(j1, 1, sem1)
        wait(j0, 0, sem0)
        sadd(j0, 0)

        @pl.when(j1 + 1 < NCH)
        def _():
            gather(j1 + 1, 0, sem0)
        wait(j1, 1, sem1)
        sadd(j1, 1)
        return 0
    lax.fori_loop(0, NCH // 2, agg_body, 0)
    plsc.subcore_barrier()

    pltpu.sync_copy(msg_sh.at[pl.ds(sid * ZROWS, ZROWS)],
                    out_hbm.at[pl.ds(cid * MROWS + sid * ZROWS, ZROWS)])


def _tc_encode_body(nt_ref, vel_ref, mp_ref, nm2, ns2, nm9, ns9,
                    rm, rs, sm, ss, We2, We9, Wr, Ws, be, h_ref):
    t = nt_ref[:]
    oh = (lax.broadcasted_iota(jnp.int32, (N, NODE_TYPE_SIZE), 1)
          == t).astype(jnp.float32)
    nfv = (vel_ref[:] - nm2[:]) / ns2[:]
    nfo = (oh - nm9[:]) / ns9[:]
    rf = (mp_ref[:] - rm[:]) / rs[:]
    sf = (mp_ref[:] - sm[:]) / ss[:]
    acc = (jnp.dot(nfv, We2[:], preferred_element_type=jnp.float32)
           + jnp.dot(nfo, We9[:], preferred_element_type=jnp.float32)
           + jnp.dot(rf, Wr[:], preferred_element_type=jnp.float32)
           + jnp.dot(sf, Ws[:], preferred_element_type=jnp.float32)
           + be[:])
    h_ref[:] = jnp.maximum(acc, 0.0)


def _tc_final_body(h_ref, p0_ref, p1_ref, Wuh, Wum, bu, Wd, bd, out_ref):
    msg = p0_ref[:] + p1_ref[:]
    h2 = jnp.maximum(
        jnp.dot(h_ref[:], Wuh[:], preferred_element_type=jnp.float32)
        + jnp.dot(msg, Wum[:], preferred_element_type=jnp.float32)
        + bu[:], 0.0)
    out_ref[:] = (jnp.dot(h2, Wd[:], preferred_element_type=jnp.float32)
                  + bd[:])


def kernel(node_type, velocity, mesh_pos, cells, is_training,
           node_mean, node_std, recv_mean, recv_std, send_mean, send_std,
           W_enc, b_enc, W_recv, W_send, W_upd, b_upd, W_dec, b_dec):
    c0, c1, c2 = cells[:, 0], cells[:, 1], cells[:, 2]
    pad_s = jnp.full((EPAD - E,), N, dtype=jnp.int32)
    pad_r = jnp.zeros((EPAD - E,), dtype=jnp.int32)
    senders = jnp.concatenate([c0, c1, c2, c1, c2, c0, pad_s])
    receivers = jnp.concatenate([c1, c2, c0, c0, c1, c2, pad_r])

    r2 = lambda a: a.reshape(1, -1)
    padc = lambda w: jnp.pad(w, ((0, 0), (0, LPAD - LATENT)))
    padr = lambda w: jnp.pad(w, ((0, LPAD - LATENT), (0, 0)))

    h = pl.pallas_call(
        _tc_encode_body,
        out_shape=jax.ShapeDtypeStruct((N, LPAD), jnp.float32),
    )(node_type, velocity, mesh_pos,
      r2(node_mean[:2]), r2(node_std[:2]), r2(node_mean[2:]), r2(node_std[2:]),
      r2(recv_mean), r2(recv_std), r2(send_mean), r2(send_std),
      padc(W_enc[:2]), padc(W_enc[2:]), padc(W_recv), padc(W_send),
      padc(r2(b_enc)))

    table = _sc_build_table(senders, receivers)

    zeros = jnp.zeros((MROWS, LPAD), dtype=jnp.float32)
    partials = _sc_aggregate(senders, receivers, table, h, zeros)

    out = pl.pallas_call(
        _tc_final_body,
        out_shape=jax.ShapeDtypeStruct((N, 2), jnp.float32),
    )(h, partials[:N], partials[MROWS:MROWS + N],
      padr(W_upd[:LATENT]), padr(W_upd[LATENT:]), r2(b_upd), W_dec, r2(b_dec))
    return out

# --- scband reference (transcript-rebuilt; emitter-appended) ---
"""Pipeline reference for scband-model-9792525435093 (READ-ONLY COPY).

The authoritative reference and input builder live on the scoring server;
editing this copy changes nothing except your own understanding.
"""

import jax, jax.numpy as jnp
import numpy as np

N = 10000
C = 20000
NODE_TYPE_SIZE = 9
LATENT = 32
NF_DIM = 2 + NODE_TYPE_SIZE


def setup_inputs(seed: int = 0) -> dict:
    key = jax.random.key(seed)
    ks = jax.random.split(key, 18)
    node_type = jax.random.randint(ks[0], (N, 1), 0, NODE_TYPE_SIZE, dtype=jnp.int32)
    velocity = jax.random.normal(ks[1], (N, 2), dtype=jnp.float32)
    mesh_pos = jax.random.uniform(ks[2], (N, 2), dtype=jnp.float32)
    cells = jax.random.randint(ks[3], (C, 3), 0, N, dtype=jnp.int32)
    # Normalizer statistics (buffers in the torch Normalizer modules)
    node_mean = 0.1 * jax.random.normal(ks[4], (NF_DIM,), dtype=jnp.float32)
    node_std = 1.0 + 0.5 * jax.random.uniform(ks[5], (NF_DIM,), dtype=jnp.float32)
    recv_mean = 0.1 * jax.random.normal(ks[6], (2,), dtype=jnp.float32)
    recv_std = 1.0 + 0.5 * jax.random.uniform(ks[7], (2,), dtype=jnp.float32)
    send_mean = 0.1 * jax.random.normal(ks[8], (2,), dtype=jnp.float32)
    send_std = 1.0 + 0.5 * jax.random.uniform(ks[9], (2,), dtype=jnp.float32)
    # Learned GraphNet parameters (encode -> dense-adj aggregate -> update -> decode)
    W_enc = 0.1 * jax.random.normal(ks[10], (NF_DIM, LATENT), dtype=jnp.float32)
    b_enc = jnp.zeros((LATENT,), dtype=jnp.float32)
    W_recv = 0.1 * jax.random.normal(ks[11], (2, LATENT), dtype=jnp.float32)
    W_send = 0.1 * jax.random.normal(ks[12], (2, LATENT), dtype=jnp.float32)
    W_upd = 0.1 * jax.random.normal(ks[13], (2 * LATENT, LATENT), dtype=jnp.float32)
    b_upd = jnp.zeros((LATENT,), dtype=jnp.float32)
    W_dec = 0.1 * jax.random.normal(ks[14], (LATENT, 2), dtype=jnp.float32)
    b_dec = jnp.zeros((2,), dtype=jnp.float32)
    return {
        "node_type": node_type, "velocity": velocity, "mesh_pos": mesh_pos,
        "cells": cells, "is_training": 1,
        "node_mean": node_mean, "node_std": node_std,
        "recv_mean": recv_mean, "recv_std": recv_std,
        "send_mean": send_mean, "send_std": send_std,
        "W_enc": W_enc, "b_enc": b_enc, "W_recv": W_recv, "W_send": W_send,
        "W_upd": W_upd, "b_upd": b_upd, "W_dec": W_dec, "b_dec": b_dec,
    }


def _two_way_edges(cells):
    # common.triangles_to_edges: each triangle contributes 3 undirected edges,
    # returned as two-way directed connectivity. (Only used to set adj=True, so
    # deduplication is irrelevant.)
    s = jnp.concatenate([cells[:, 0], cells[:, 1], cells[:, 2]])
    r = jnp.concatenate([cells[:, 1], cells[:, 2], cells[:, 0]])
    senders = jnp.concatenate([s, r])
    receivers = jnp.concatenate([r, s])
    return senders, receivers


def reference(node_type, velocity, mesh_pos, cells, is_training,
              node_mean, node_std, recv_mean, recv_std, send_mean, send_std,
              W_enc, b_enc, W_recv, W_send, W_upd, b_upd, W_dec, b_dec):
    # _build_graph
    onehot = jax.nn.one_hot(node_type[:, 0], NODE_TYPE_SIZE, dtype=jnp.float32)
    node_features = jnp.concatenate([velocity, onehot], axis=-1)
    node_features = (node_features - node_mean) / node_std
    reciever_features = (mesh_pos - recv_mean) / recv_std
    sender_features = (mesh_pos - send_mean) / send_std
    senders, receivers = _two_way_edges(cells)
    adj = jnp.zeros((N, N), dtype=jnp.bool_).at[senders, receivers].set(True)
    # learned_model(graph): encode -> aggregate over dense adjacency -> update -> decode
    h = jax.nn.relu(node_features @ W_enc + reciever_features @ W_recv
                    + sender_features @ W_send + b_enc)
    msg = adj.astype(jnp.float32) @ h
    h2 = jax.nn.relu(jnp.concatenate([h, msg], axis=-1) @ W_upd + b_upd)
    out = h2 @ W_dec + b_dec  # [N, 2] per-node network output (is_training=True path)
    return out

if __name__ == "__main__":
    import jax
    _d = setup_inputs()
    print(jax.jit(kernel)(*tuple(_d.values())))

</pallas_src>

<mosaic_0001>
#map = affine_map<(d0, d1) -> (0)>
module attributes {stable_mosaic.version = 14 : i64} {
  func.func @_sc_build_table(%arg0: i32, %arg1: i32, %arg2: memref<122880xi32, #tpu.memory_space<hbm>>, %arg3: memref<122880xi32, #tpu.memory_space<hbm>>, %arg4: memref<100000008xi32, #tpu.memory_space<hbm>>, %arg5: memref<3840xi32, #tpu.memory_space<vmem>>, %arg6: memref<3840xi32, #tpu.memory_space<vmem>>, %arg7: memref<960xi32, #tpu.memory_space<vmem>>, %arg8: memref<960xi32, #tpu.memory_space<vmem>>, %arg9: memref<960xi32, #tpu.memory_space<vmem>>, %arg10: memref<960xi32, #tpu.memory_space<vmem>>, %arg11: memref<960xi32, #tpu.memory_space<vmem>>, %arg12: memref<960xi32, #tpu.memory_space<vmem>>, %arg13: memref<960xi32, #tpu.memory_space<vmem>>, %arg14: memref<960xi32, #tpu.memory_space<vmem>>, %arg15: memref<!tpu.dma_semaphore, #tpu.memory_space<semaphore_mem>>, %arg16: memref<!tpu.dma_semaphore, #tpu.memory_space<semaphore_mem>>, %arg17: memref<!tpu.dma_semaphore, #tpu.memory_space<semaphore_mem>>, %arg18: memref<!tpu.dma_semaphore, #tpu.memory_space<semaphore_mem>>) attributes {dimension_semantics = [#tpu.dimension_semantics<core_parallel>, #tpu.dimension_semantics<subcore_parallel>], iteration_bounds = array<i64: 2, 16>, scalar_prefetch = 0 : i64, scratch_operands = 14 : i64, tpu.core_type = #tpu.core_type<sc_vector_subcore>, window_params = [{transform_indices = #map}, {transform_indices = #map}, {transform_indices = #map}]} {
    %mul3A = arith.constant 2 : i32
    %mul3A_0 = arith.muli %arg1, %mul3A : i32
    %add3A = arith.addi %mul3A_0, %arg0 : i32
    %mul3A_1 = arith.constant 3840 : i32
    %mul3A_2 = arith.muli %add3A, %mul3A_1 : i32
    "tpu.region"() ({
      %run_scoped3A = tpu.sem_alloc : memref<!tpu.dma_semaphore, #tpu.memory_space<semaphore_mem>>
      %dma_start3A_44 = tpu.memref_slice %arg2[%mul3A_2] : memref<122880xi32, #tpu.memory_space<hbm>> -> memref<3840xi32, #tpu.memory_space<hbm>>
      %dma_start3A_45 = tpu.memref_slice %arg2[%mul3A_2] : memref<122880xi32, #tpu.memory_space<hbm>> -> memref<3840xi32, #tpu.memory_space<hbm>>
      tpu.enqueue_dma source(%dma_start3A_45 : memref<3840xi32, #tpu.memory_space<hbm>>) target(%arg5 : memref<3840xi32, #tpu.memory_space<vmem>>) target_semaphore(%run_scoped3A : memref<!tpu.dma_semaphore, #tpu.memory_space<semaphore_mem>>)
      %dma_wait3A_46 = tpu.memref_slice %arg2[%mul3A_2] : memref<122880xi32, #tpu.memory_space<hbm>> -> memref<3840xi32, #tpu.memory_space<hbm>>
      %dma_wait3A_47 = tpu.memref_slice %arg2[%mul3A_2] : memref<122880xi32, #tpu.memory_space<hbm>> -> memref<3840xi32, #tpu.memory_space<hbm>>
      tpu.wait_dma2 semaphore(%run_scoped3A : memref<!tpu.dma_semaphore, #tpu.memory_space<semaphore_mem>>) src(%dma_wait3A_47 : memref<3840xi32, #tpu.memory_space<hbm>>) dst(%arg5 : memref<3840xi32, #tpu.memory_space<vmem>>)
      tpu.yield
    }) : () -> ()
    "tpu.region"() ({
      %run_scoped3A = tpu.sem_alloc : memref<!tpu.dma_semaphore, #tpu.memory_space<semaphore_mem>>
      %dma_start3A_44 = tpu.memref_slice %arg3[%mul3A_2] : memref<122880xi32, #tpu.memory_space<hbm>> -> memref<3840xi32, #tpu.memory_space<hbm>>
      %dma_start3A_45 = tpu.memref_slice %arg3[%mul3A_2] : memref<122880xi32, #tpu.memory_space<hbm>> -> memref<3840xi32, #tpu.memory_space<hbm>>
      tpu.enqueue_dma source(%dma_start3A_45 : memref<3840xi32, #tpu.memory_space<hbm>>) target(%arg6 : memref<3840xi32, #tpu.memory_space<vmem>>) target_semaphore(%run_scoped3A : memref<!tpu.dma_semaphore, #tpu.memory_space<semaphore_mem>>)
      %dma_wait3A_46 = tpu.memref_slice %arg3[%mul3A_2] : memref<122880xi32, #tpu.memory_space<hbm>> -> memref<3840xi32, #tpu.memory_space<hbm>>
      %dma_wait3A_47 = tpu.memref_slice %arg3[%mul3A_2] : memref<122880xi32, #tpu.memory_space<hbm>> -> memref<3840xi32, #tpu.memory_space<hbm>>
      tpu.wait_dma2 semaphore(%run_scoped3A : memref<!tpu.dma_semaphore, #tpu.memory_space<semaphore_mem>>) src(%dma_wait3A_47 : memref<3840xi32, #tpu.memory_space<hbm>>) dst(%arg6 : memref<3840xi32, #tpu.memory_space<vmem>>)
      tpu.yield
    }) : () -> ()
    %iota3A = tpu.iota {dimensions = array<i32: 0>} : vector<16xi32>
    %scan3A = arith.constant 0 : i32
    %scan3A_3 = arith.constant 0 : i32
    %scan3A_4 = arith.constant 60 : i32
    %scan3A_5 = arith.addi %scan3A_3, %scan3A_4 : i32
    %scan3A_6 = arith.constant 1 : i32
    %scan3A_7 = scf.for %scan3A_44 = %scan3A_3 to %scan3A_5 step %scan3A_6 iter_args(%scan3A_45 = %scan3A) -> (i32)  : i32 {
      %mul3A_46 = arith.constant 16 : i32
      %mul3A_47 = arith.muli %scan3A_44, %mul3A_46 : i32
      %add3A_48 = arith.constant 0 : i32
      %add3A_49 = arith.addi %add3A_48, %mul3A_47 : i32
      %get3A = arith.index_cast %add3A_49 : i32 to index
      %get3A_50 = tpu.vector_load %arg5[%get3A] {strides = array<i32>} : memref<3840xi32, #tpu.memory_space<vmem>>, vector<16xi32>,
      %get3A_51 = vector.shape_cast %get3A_50 : vector<16xi32> to vector<16xi32>
      %get3A_52 = arith.index_cast %add3A_49 : i32 to index
      %get3A_53 = tpu.vector_load %arg6[%get3A_52] {strides = array<i32>} : memref<3840xi32, #tpu.memory_space<vmem>>, vector<16xi32>,
      %get3A_54 = vector.shape_cast %get3A_53 : vector<16xi32> to vector<16xi32>
      %mul3A_55 = arith.constant 10000 : i32
      %mul3A_56 = vector.broadcast %mul3A_55 : i32 to vector<16xi32>
      %mul3A_57 = arith.muli %get3A_51, %mul3A_56 : vector<16xi32>
      %add3A_58 = arith.addi %mul3A_57, %get3A_54 : vector<16xi32>
      %swap3A = arith.index_cast %mul3A_47 : i32 to index
      %swap3A_59 = tpu.vector_load %arg7[%swap3A] {strides = array<i32>} : memref<960xi32, #tpu.memory_space<vmem>>, vector<16xi32>,
      %swap3A_60 = vector.shape_cast %swap3A_59 : vector<16xi32> to vector<16xi32>
      %swap3A_61 = vector.shape_cast %add3A_58 : vector<16xi32> to vector<16xi32>
      tpu.vector_store %arg7[%swap3A], %swap3A_61 {strides = array<i32>} : memref<960xi32, #tpu.memory_space<vmem>>, vector<16xi32>,
      %add3A_62 = arith.addi %mul3A_2, %add3A_49 : i32
      %add3A_63 = vector.broadcast %add3A_62 : i32 to vector<16xi32>
      %add3A_64 = arith.addi %add3A_63, %iota3A : vector<16xi32>
      %swap3A_65 = arith.index_cast %mul3A_47 : i32 to index
      %swap3A_66 = tpu.vector_load %arg11[%swap3A_65] {strides = array<i32>} : memref<960xi32, #tpu.memory_space<vmem>>, vector<16xi32>,
      %swap3A_67 = vector.shape_cast %swap3A_66 : vector<16xi32> to vector<16xi32>
      %swap3A_68 = vector.shape_cast %add3A_64 : vector<16xi32> to vector<16xi32>
      tpu.vector_store %arg11[%swap3A_65], %swap3A_68 {strides = array<i32>} : memref<960xi32, #tpu.memory_space<vmem>>, vector<16xi32>,
      %scan3A_69 = arith.constant 0 : i32
      scf.yield %scan3A_69 : i32
    }
    %scan3A_8 = arith.constant 60 : i32
    %scan3A_9 = arith.constant 0 : i32
    %scan3A_10 = arith.constant 0 : i32
    %scan3A_11 = arith.constant 60 : i32
    %scan3A_12 = arith.addi %scan3A_10, %scan3A_11 : i32
    %scan3A_13 = arith.constant 1 : i32
    %scan3A_14 = scf.for %scan3A_44 = %scan3A_10 to %scan3A_12 step %scan3A_13 iter_args(%scan3A_45 = %scan3A_9) -> (i32)  : i32 {
      %mul3A_46 = arith.constant 16 : i32
      %mul3A_47 = arith.muli %scan3A_44, %mul3A_46 : i32
      %add3A_48 = arith.constant 960 : i32
      %add3A_49 = arith.addi %add3A_48, %mul3A_47 : i32
      %get3A = arith.index_cast %add3A_49 : i32 to index
      %get3A_50 = tpu.vector_load %arg5[%get3A] {strides = array<i32>} : memref<3840xi32, #tpu.memory_space<vmem>>, vector<16xi32>,
      %get3A_51 = vector.shape_cast %get3A_50 : vector<16xi32> to vector<16xi32>
      %get3A_52 = arith.index_cast %add3A_49 : i32 to index
      %get3A_53 = tpu.vector_load %arg6[%get3A_52] {strides = array<i32>} : memref<3840xi32, #tpu.memory_space<vmem>>, vector<16xi32>,
      %get3A_54 = vector.shape_cast %get3A_53 : vector<16xi32> to vector<16xi32>
      %mul3A_55 = arith.constant 10000 : i32
      %mul3A_56 = vector.broadcast %mul3A_55 : i32 to vector<16xi32>
      %mul3A_57 = arith.muli %get3A_51, %mul3A_56 : vector<16xi32>
      %add3A_58 = arith.addi %mul3A_57, %get3A_54 : vector<16xi32>
      %swap3A = arith.index_cast %mul3A_47 : i32 to index
      %swap3A_59 = tpu.vector_load %arg8[%swap3A] {strides = array<i32>} : memref<960xi32, #tpu.memory_space<vmem>>, vector<16xi32>,
      %swap3A_60 = vector.shape_cast %swap3A_59 : vector<16xi32> to vector<16xi32>
      %swap3A_61 = vector.shape_cast %add3A_58 : vector<16xi32> to vector<16xi32>
      tpu.vector_store %arg8[%swap3A], %swap3A_61 {strides = array<i32>} : memref<960xi32, #tpu.memory_space<vmem>>, vector<16xi32>,
      %add3A_62 = arith.addi %mul3A_2, %add3A_49 : i32
      %add3A_63 = vector.broadcast %add3A_62 : i32 to vector<16xi32>
      %add3A_64 = arith.addi %add3A_63, %iota3A : vector<16xi32>
      %swap3A_65 = arith.index_cast %mul3A_47 : i32 to index
      %swap3A_66 = tpu.vector_load %arg12[%swap3A_65] {strides = array<i32>} : memref<960xi32, #tpu.memory_space<vmem>>, vector<16xi32>,
      %swap3A_67 = vector.shape_cast %swap3A_66 : vector<16xi32> to vector<16xi32>
      %swap3A_68 = vector.shape_cast %add3A_64 : vector<16xi32> to vector<16xi32>
      tpu.vector_store %arg12[%swap3A_65], %swap3A_68 {strides = array<i32>} : memref<960xi32, #tpu.memory_space<vmem>>, vector<16xi32>,
      %scan3A_69 = arith.constant 0 : i32
      scf.yield %scan3A_69 : i32
    }
    %scan3A_15 = arith.constant 60 : i32
    %scan3A_16 = arith.constant 0 : i32
    %scan3A_17 = arith.constant 0 : i32
    %scan3A_18 = arith.constant 60 : i32
    %scan3A_19 = arith.addi %scan3A_17, %scan3A_18 : i32
    %scan3A_20 = arith.constant 1 : i32
    %scan3A_21 = scf.for %scan3A_44 = %scan3A_17 to %scan3A_19 step %scan3A_20 iter_args(%scan3A_45 = %scan3A_16) -> (i32)  : i32 {
      %mul3A_46 = arith.constant 16 : i32
      %mul3A_47 = arith.muli %scan3A_44, %mul3A_46 : i32
      %add3A_48 = arith.constant 1920 : i32
      %add3A_49 = arith.addi %add3A_48, %mul3A_47 : i32
      %get3A = arith.index_cast %add3A_49 : i32 to index
      %get3A_50 = tpu.vector_load %arg5[%get3A] {strides = array<i32>} : memref<3840xi32, #tpu.memory_space<vmem>>, vector<16xi32>,
      %get3A_51 = vector.shape_cast %get3A_50 : vector<16xi32> to vector<16xi32>
      %get3A_52 = arith.index_cast %add3A_49 : i32 to index
      %get3A_53 = tpu.vector_load %arg6[%get3A_52] {strides = array<i32>} : memref<3840xi32, #tpu.memory_space<vmem>>, vector<16xi32>,
      %get3A_54 = vector.shape_cast %get3A_53 : vector<16xi32> to vector<16xi32>
      %mul3A_55 = arith.constant 10000 : i32
      %mul3A_56 = vector.broadcast %mul3A_55 : i32 to vector<16xi32>
      %mul3A_57 = arith.muli %get3A_51, %mul3A_56 : vector<16xi32>
      %add3A_58 = arith.addi %mul3A_57, %get3A_54 : vector<16xi32>
      %swap3A = arith.index_cast %mul3A_47 : i32 to index
      %swap3A_59 = tpu.vector_load %arg9[%swap3A] {strides = array<i32>} : memref<960xi32, #tpu.memory_space<vmem>>, vector<16xi32>,
      %swap3A_60 = vector.shape_cast %swap3A_59 : vector<16xi32> to vector<16xi32>
      %swap3A_61 = vector.shape_cast %add3A_58 : vector<16xi32> to vector<16xi32>
      tpu.vector_store %arg9[%swap3A], %swap3A_61 {strides = array<i32>} : memref<960xi32, #tpu.memory_space<vmem>>, vector<16xi32>,
      %add3A_62 = arith.addi %mul3A_2, %add3A_49 : i32
      %add3A_63 = vector.broadcast %add3A_62 : i32 to vector<16xi32>
      %add3A_64 = arith.addi %add3A_63, %iota3A : vector<16xi32>
      %swap3A_65 = arith.index_cast %mul3A_47 : i32 to index
      %swap3A_66 = tpu.vector_load %arg13[%swap3A_65] {strides = array<i32>} : memref<960xi32, #tpu.memory_space<vmem>>, vector<16xi32>,
      %swap3A_67 = vector.shape_cast %swap3A_66 : vector<16xi32> to vector<16xi32>
      %swap3A_68 = vector.shape_cast %add3A_64 : vector<16xi32> to vector<16xi32>
      tpu.vector_store %arg13[%swap3A_65], %swap3A_68 {strides = array<i32>} : memref<960xi32, #tpu.memory_space<vmem>>, vector<16xi32>,
      %scan3A_69 = arith.constant 0 : i32
      scf.yield %scan3A_69 : i32
    }
    %scan3A_22 = arith.constant 60 : i32
    %scan3A_23 = arith.constant 0 : i32
    %scan3A_24 = arith.constant 0 : i32
    %scan3A_25 = arith.constant 60 : i32
    %scan3A_26 = arith.addi %scan3A_24, %scan3A_25 : i32
    %scan3A_27 = arith.constant 1 : i32
    %scan3A_28 = scf.for %scan3A_44 = %scan3A_24 to %scan3A_26 step %scan3A_27 iter_args(%scan3A_45 = %scan3A_23) -> (i32)  : i32 {
      %mul3A_46 = arith.constant 16 : i32
      %mul3A_47 = arith.muli %scan3A_44, %mul3A_46 : i32
      %add3A_48 = arith.constant 2880 : i32
      %add3A_49 = arith.addi %add3A_48, %mul3A_47 : i32
      %get3A = arith.index_cast %add3A_49 : i32 to index
      %get3A_50 = tpu.vector_load %arg5[%get3A] {strides = array<i32>} : memref<3840xi32, #tpu.memory_space<vmem>>, vector<16xi32>,
      %get3A_51 = vector.shape_cast %get3A_50 : vector<16xi32> to vector<16xi32>
      %get3A_52 = arith.index_cast %add3A_49 : i32 to index
      %get3A_53 = tpu.vector_load %arg6[%get3A_52] {strides = array<i32>} : memref<3840xi32, #tpu.memory_space<vmem>>, vector<16xi32>,
      %get3A_54 = vector.shape_cast %get3A_53 : vector<16xi32> to vector<16xi32>
      %mul3A_55 = arith.constant 10000 : i32
      %mul3A_56 = vector.broadcast %mul3A_55 : i32 to vector<16xi32>
      %mul3A_57 = arith.muli %get3A_51, %mul3A_56 : vector<16xi32>
      %add3A_58 = arith.addi %mul3A_57, %get3A_54 : vector<16xi32>
      %swap3A = arith.index_cast %mul3A_47 : i32 to index
      %swap3A_59 = tpu.vector_load %arg10[%swap3A] {strides = array<i32>} : memref<960xi32, #tpu.memory_space<vmem>>, vector<16xi32>,
      %swap3A_60 = vector.shape_cast %swap3A_59 : vector<16xi32> to vector<16xi32>
      %swap3A_61 = vector.shape_cast %add3A_58 : vector<16xi32> to vector<16xi32>
      tpu.vector_store %arg10[%swap3A], %swap3A_61 {strides = array<i32>} : memref<960xi32, #tpu.memory_space<vmem>>, vector<16xi32>,
      %add3A_62 = arith.addi %mul3A_2, %add3A_49 : i32
      %add3A_63 = vector.broadcast %add3A_62 : i32 to vector<16xi32>
      %add3A_64 = arith.addi %add3A_63, %iota3A : vector<16xi32>
      %swap3A_65 = arith.index_cast %mul3A_47 : i32 to index
      %swap3A_66 = tpu.vector_load %arg14[%swap3A_65] {strides = array<i32>} : memref<960xi32, #tpu.memory_space<vmem>>, vector<16xi32>,
      %swap3A_67 = vector.shape_cast %swap3A_66 : vector<16xi32> to vector<16xi32>
      %swap3A_68 = vector.shape_cast %add3A_64 : vector<16xi32> to vector<16xi32>
      tpu.vector_store %arg14[%swap3A_65], %swap3A_68 {strides = array<i32>} : memref<960xi32, #tpu.memory_space<vmem>>, vector<16xi32>,
      %scan3A_69 = arith.constant 0 : i32
      scf.yield %scan3A_69 : i32
    }
    %scan3A_29 = arith.constant 60 : i32
    %dma_start3A = arith.constant 0 : i32
    %dma_start3A_30 = tpu.memref_slice %arg4[%dma_start3A] : memref<100000008xi32, #tpu.memory_space<hbm>> -> memref<100000008xi32, #tpu.memory_space<hbm>>
    tpu.enqueue_indirect_dma source(%arg11 : memref<960xi32, #tpu.memory_space<vmem>>) target(%dma_start3A_30 : memref<100000008xi32, #tpu.memory_space<hbm>>) offsets(%arg7 : memref<960xi32, #tpu.memory_space<vmem>>) semaphore(%arg15 : memref<!tpu.dma_semaphore, #tpu.memory_space<semaphore_mem>>)
    %dma_start3A_31 = arith.constant 0 : i32
    %dma_start3A_32 = tpu.memref_slice %arg4[%dma_start3A_31] : memref<100000008xi32, #tpu.memory_space<hbm>> -> memref<100000008xi32, #tpu.memory_space<hbm>>
    tpu.enqueue_indirect_dma source(%arg12 : memref<960xi32, #tpu.memory_space<vmem>>) target(%dma_start3A_32 : memref<100000008xi32, #tpu.memory_space<hbm>>) offsets(%arg8 : memref<960xi32, #tpu.memory_space<vmem>>) semaphore(%arg16 : memref<!tpu.dma_semaphore, #tpu.memory_space<semaphore_mem>>)
    %dma_start3A_33 = arith.constant 0 : i32
    %dma_start3A_34 = tpu.memref_slice %arg4[%dma_start3A_33] : memref<100000008xi32, #tpu.memory_space<hbm>> -> memref<100000008xi32, #tpu.memory_space<hbm>>
    tpu.enqueue_indirect_dma source(%arg13 : memref<960xi32, #tpu.memory_space<vmem>>) target(%dma_start3A_34 : memref<100000008xi32, #tpu.memory_space<hbm>>) offsets(%arg9 : memref<960xi32, #tpu.memory_space<vmem>>) semaphore(%arg17 : memref<!tpu.dma_semaphore, #tpu.memory_space<semaphore_mem>>)
    %dma_start3A_35 = arith.constant 0 : i32
    %dma_start3A_36 = tpu.memref_slice %arg4[%dma_start3A_35] : memref<100000008xi32, #tpu.memory_space<hbm>> -> memref<100000008xi32, #tpu.memory_space<hbm>>
    tpu.enqueue_indirect_dma source(%arg14 : memref<960xi32, #tpu.memory_space<vmem>>) target(%dma_start3A_36 : memref<100000008xi32, #tpu.memory_space<hbm>>) offsets(%arg10 : memref<960xi32, #tpu.memory_space<vmem>>) semaphore(%arg18 : memref<!tpu.dma_semaphore, #tpu.memory_space<semaphore_mem>>)
    %dma_wait3A = arith.constant 0 : i32
    %dma_wait3A_37 = tpu.memref_slice %arg4[%dma_wait3A] : memref<100000008xi32, #tpu.memory_space<hbm>> -> memref<100000008xi32, #tpu.memory_space<hbm>>
    tpu.wait_indirect_dma semaphore(%arg15 : memref<!tpu.dma_semaphore, #tpu.memory_space<semaphore_mem>>) src(%arg11 : memref<960xi32, #tpu.memory_space<vmem>>) dst(%dma_wait3A_37 : memref<100000008xi32, #tpu.memory_space<hbm>>)
    %dma_wait3A_38 = arith.constant 0 : i32
    %dma_wait3A_39 = tpu.memref_slice %arg4[%dma_wait3A_38] : memref<100000008xi32, #tpu.memory_space<hbm>> -> memref<100000008xi32, #tpu.memory_space<hbm>>
    tpu.wait_indirect_dma semaphore(%arg16 : memref<!tpu.dma_semaphore, #tpu.memory_space<semaphore_mem>>) src(%arg12 : memref<960xi32, #tpu.memory_space<vmem>>) dst(%dma_wait3A_39 : memref<100000008xi32, #tpu.memory_space<hbm>>)
    %dma_wait3A_40 = arith.constant 0 : i32
    %dma_wait3A_41 = tpu.memref_slice %arg4[%dma_wait3A_40] : memref<100000008xi32, #tpu.memory_space<hbm>> -> memref<100000008xi32, #tpu.memory_space<hbm>>
    tpu.wait_indirect_dma semaphore(%arg17 : memref<!tpu.dma_semaphore, #tpu.memory_space<semaphore_mem>>) src(%arg13 : memref<960xi32, #tpu.memory_space<vmem>>) dst(%dma_wait3A_41 : memref<100000008xi32, #tpu.memory_space<hbm>>)
    %dma_wait3A_42 = arith.constant 0 : i32
    %dma_wait3A_43 = tpu.memref_slice %arg4[%dma_wait3A_42] : memref<100000008xi32, #tpu.memory_space<hbm>> -> memref<100000008xi32, #tpu.memory_space<hbm>>
    tpu.wait_indirect_dma semaphore(%arg18 : memref<!tpu.dma_semaphore, #tpu.memory_space<semaphore_mem>>) src(%arg14 : memref<960xi32, #tpu.memory_space<vmem>>) dst(%dma_wait3A_43 : memref<100000008xi32, #tpu.memory_space<hbm>>)
    return
  }
}

#map = affine_map<(d0, d1) -> (0)>
#map1 = affine_map<(d0, d1) -> (0, 0)>
module attributes {stable_mosaic.version = 14 : i64} {
  func.func @_sc_aggregate(%arg0: i32, %arg1: i32, %arg2: memref<122880xi32, #tpu.memory_space<hbm>>, %arg3: memref<122880xi32, #tpu.memory_space<hbm>>, %arg4: memref<100000008xi32, #tpu.memory_space<hbm>>, %arg5: memref<10000x128xf32, #tpu.memory_space<hbm>>, %arg6: memref<10112x128xf32, #tpu.memory_space<hbm>>, %arg7: memref<20224x128xf32, #tpu.memory_space<hbm>>, %arg8: memref<3840xi32, #tpu.memory_space<vmem>>, %arg9: memref<3840xi32, #tpu.memory_space<vmem>>, %arg10: memref<3840xi32, #tpu.memory_space<vmem>>, %arg11: memref<30x128xi32, #tpu.memory_space<vmem>>, %arg12: memref<2x128x128xf32, #tpu.memory_space<vmem>>, %arg13: memref<10112x128xf32, #tpu.memory_space<vmem_shared>>, %arg14: memref<!tpu.dma_semaphore, #tpu.memory_space<semaphore_mem>>, %arg15: memref<!tpu.dma_semaphore, #tpu.memory_space<semaphore_mem>>) attributes {dimension_semantics = [#tpu.dimension_semantics<core_parallel>, #tpu.dimension_semantics<subcore_parallel>], iteration_bounds = array<i64: 2, 16>, scalar_prefetch = 0 : i64, scratch_operands = 8 : i64, tpu.core_type = #tpu.core_type<sc_vector_subcore>, window_params = [{transform_indices = #map}, {transform_indices = #map}, {transform_indices = #map}, {transform_indices = #map1}, {transform_indices = #map1}, {transform_indices = #map1}]} {
    %mul3A = arith.constant 2 : i32
    %mul3A_0 = arith.muli %arg1, %mul3A : i32
    %add3A = arith.addi %mul3A_0, %arg0 : i32
    %mul3A_1 = arith.constant 3840 : i32
    %mul3A_2 = arith.muli %add3A, %mul3A_1 : i32
    %mul3A_3 = arith.constant 632 : i32
    %mul3A_4 = arith.muli %arg1, %mul3A_3 : i32
    %mul3A_5 = arith.constant 632 : i32
    %mul3A_6 = arith.muli %arg1, %mul3A_5 : i32
    "tpu.region"() ({
      %run_scoped3A = tpu.sem_alloc : memref<!tpu.dma_semaphore, #tpu.memory_space<semaphore_mem>>
      %dma_start3A_91 = arith.constant 0 : i32
      %dma_start3A_92 = tpu.memref_slice %arg13[%mul3A_6, %dma_start3A_91] : memref<10112x128xf32, #tpu.memory_space<vmem_shared>> -> memref<632x128xf32, #tpu.memory_space<vmem_shared>>
      %dma_start3A_93 = arith.constant 0 : i32
      %dma_start3A_94 = tpu.memref_slice %arg6[%mul3A_4, %dma_start3A_93] : memref<10112x128xf32, #tpu.memory_space<hbm>> -> memref<632x128xf32, #tpu.memory_space<hbm>>
      tpu.enqueue_dma source(%dma_start3A_94 : memref<632x128xf32, #tpu.memory_space<hbm>>) target(%dma_start3A_92 : memref<632x128xf32, #tpu.memory_space<vmem_shared>>) target_semaphore(%run_scoped3A : memref<!tpu.dma_semaphore, #tpu.memory_space<semaphore_mem>>)
      %dma_wait3A_95 = arith.constant 0 : i32
      %dma_wait3A_96 = tpu.memref_slice %arg13[%mul3A_6, %dma_wait3A_95] : memref<10112x128xf32, #tpu.memory_space<vmem_shared>> -> memref<632x128xf32, #tpu.memory_space<vmem_shared>>
      %dma_wait3A_97 = arith.constant 0 : i32
      %dma_wait3A_98 = tpu.memref_slice %arg6[%mul3A_4, %dma_wait3A_97] : memref<10112x128xf32, #tpu.memory_space<hbm>> -> memref<632x128xf32, #tpu.memory_space<hbm>>
      tpu.wait_dma2 semaphore(%run_scoped3A : memref<!tpu.dma_semaphore, #tpu.memory_space<semaphore_mem>>) src(%dma_wait3A_98 : memref<632x128xf32, #tpu.memory_space<hbm>>) dst(%dma_wait3A_96 : memref<632x128xf32, #tpu.memory_space<vmem_shared>>)
      tpu.yield
    }) : () -> ()
    %barrier3A = arith.constant 0 : index
    tpu.barrier barrier_id(%barrier3A)
    "tpu.region"() ({
      %run_scoped3A = tpu.sem_alloc : memref<!tpu.dma_semaphore, #tpu.memory_space<semaphore_mem>>
      %dma_start3A_91 = tpu.memref_slice %arg2[%mul3A_2] : memref<122880xi32, #tpu.memory_space<hbm>> -> memref<3840xi32, #tpu.memory_space<hbm>>
      %dma_start3A_92 = tpu.memref_slice %arg2[%mul3A_2] : memref<122880xi32, #tpu.memory_space<hbm>> -> memref<3840xi32, #tpu.memory_space<hbm>>
      tpu.enqueue_dma source(%dma_start3A_92 : memref<3840xi32, #tpu.memory_space<hbm>>) target(%arg8 : memref<3840xi32, #tpu.memory_space<vmem>>) target_semaphore(%run_scoped3A : memref<!tpu.dma_semaphore, #tpu.memory_space<semaphore_mem>>)
      %dma_wait3A_93 = tpu.memref_slice %arg2[%mul3A_2] : memref<122880xi32, #tpu.memory_space<hbm>> -> memref<3840xi32, #tpu.memory_space<hbm>>
      %dma_wait3A_94 = tpu.memref_slice %arg2[%mul3A_2] : memref<122880xi32, #tpu.memory_space<hbm>> -> memref<3840xi32, #tpu.memory_space<hbm>>
      tpu.wait_dma2 semaphore(%run_scoped3A : memref<!tpu.dma_semaphore, #tpu.memory_space<semaphore_mem>>) src(%dma_wait3A_94 : memref<3840xi32, #tpu.memory_space<hbm>>) dst(%arg8 : memref<3840xi32, #tpu.memory_space<vmem>>)
      tpu.yield
    }) : () -> ()
    "tpu.region"() ({
      %run_scoped3A = tpu.sem_alloc : memref<!tpu.dma_semaphore, #tpu.memory_space<semaphore_mem>>
      %dma_start3A_91 = tpu.memref_slice %arg3[%mul3A_2] : memref<122880xi32, #tpu.memory_space<hbm>> -> memref<3840xi32, #tpu.memory_space<hbm>>
      %dma_start3A_92 = tpu.memref_slice %arg3[%mul3A_2] : memref<122880xi32, #tpu.memory_space<hbm>> -> memref<3840xi32, #tpu.memory_space<hbm>>
      tpu.enqueue_dma source(%dma_start3A_92 : memref<3840xi32, #tpu.memory_space<hbm>>) target(%arg9 : memref<3840xi32, #tpu.memory_space<vmem>>) target_semaphore(%run_scoped3A : memref<!tpu.dma_semaphore, #tpu.memory_space<semaphore_mem>>)
      %dma_wait3A_93 = tpu.memref_slice %arg3[%mul3A_2] : memref<122880xi32, #tpu.memory_space<hbm>> -> memref<3840xi32, #tpu.memory_space<hbm>>
      %dma_wait3A_94 = tpu.memref_slice %arg3[%mul3A_2] : memref<122880xi32, #tpu.memory_space<hbm>> -> memref<3840xi32, #tpu.memory_space<hbm>>
      tpu.wait_dma2 semaphore(%run_scoped3A : memref<!tpu.dma_semaphore, #tpu.memory_space<semaphore_mem>>) src(%dma_wait3A_94 : memref<3840xi32, #tpu.memory_space<hbm>>) dst(%arg9 : memref<3840xi32, #tpu.memory_space<vmem>>)
      tpu.yield
    }) : () -> ()
    %iota3A = tpu.iota {dimensions = array<i32: 0>} : vector<16xi32>
    %scan3A = arith.constant 0 : i32
    %scan3A_7 = arith.constant 0 : i32
    %scan3A_8 = arith.constant 240 : i32
    %scan3A_9 = arith.addi %scan3A_7, %scan3A_8 : i32
    %scan3A_10 = arith.constant 1 : i32
    %scan3A_11 = scf.for %scan3A_91 = %scan3A_7 to %scan3A_9 step %scan3A_10 iter_args(%scan3A_92 = %scan3A) -> (i32)  : i32 {
      %mul3A_93 = arith.constant 16 : i32
      %mul3A_94 = arith.muli %scan3A_91, %mul3A_93 : i32
      %get3A = arith.index_cast %mul3A_94 : i32 to index
      %get3A_95 = tpu.vector_load %arg8[%get3A] {strides = array<i32>} : memref<3840xi32, #tpu.memory_space<vmem>>, vector<16xi32>,
      %get3A_96 = vector.shape_cast %get3A_95 : vector<16xi32> to vector<16xi32>
      %get3A_97 = arith.index_cast %mul3A_94 : i32 to index
      %get3A_98 = tpu.vector_load %arg9[%get3A_97] {strides = array<i32>} : memref<3840xi32, #tpu.memory_space<vmem>>, vector<16xi32>,
      %get3A_99 = vector.shape_cast %get3A_98 : vector<16xi32> to vector<16xi32>
      %mul3A_100 = arith.constant 10000 : i32
      %mul3A_101 = vector.broadcast %mul3A_100 : i32 to vector<16xi32>
      %mul3A_102 = arith.muli %get3A_96, %mul3A_101 : vector<16xi32>
      %add3A_103 = arith.addi %mul3A_102, %get3A_99 : vector<16xi32>
      %swap3A = arith.index_cast %mul3A_94 : i32 to index
      %swap3A_104 = tpu.vector_load %arg10[%swap3A] {strides = array<i32>} : memref<3840xi32, #tpu.memory_space<vmem>>, vector<16xi32>,
      %swap3A_105 = vector.shape_cast %swap3A_104 : vector<16xi32> to vector<16xi32>
      %swap3A_106 = vector.shape_cast %add3A_103 : vector<16xi32> to vector<16xi32>
      tpu.vector_store %arg10[%swap3A], %swap3A_106 {strides = array<i32>} : memref<3840xi32, #tpu.memory_space<vmem>>, vector<16xi32>,
      %div3A = arith.constant 128 : i32
      %div3A_107 = arith.divsi %mul3A_94, %div3A : i32
      %rem3A = arith.constant 128 : i32
      %rem3A_108 = arith.remsi %mul3A_94, %rem3A : i32
      %swap3A_109 = arith.index_cast %div3A_107 : i32 to index
      %swap3A_110 = arith.index_cast %rem3A_108 : i32 to index
      %swap3A_111 = tpu.vector_load %arg11[%swap3A_109, %swap3A_110] {strides = array<i32>} : memref<30x128xi32, #tpu.memory_space<vmem>>, vector<1x16xi32>,
      %swap3A_112 = vector.shape_cast %swap3A_111 : vector<1x16xi32> to vector<16xi32>
      %swap3A_113 = vector.shape_cast %get3A_96 : vector<16xi32> to vector<1x16xi32>
      tpu.vector_store %arg11[%swap3A_109, %swap3A_110], %swap3A_113 {strides = array<i32>} : memref<30x128xi32, #tpu.memory_space<vmem>>, vector<1x16xi32>,
      %scan3A_114 = arith.constant 0 : i32
      scf.yield %scan3A_114 : i32
    }
    %scan3A_12 = arith.constant 240 : i32
    %dma_start3A = arith.constant 0 : i32
    %dma_start3A_13 = tpu.memref_slice %arg8[%dma_start3A] : memref<3840xi32, #tpu.memory_space<vmem>> -> memref<960xi32, #tpu.memory_space<vmem>>
    %dma_start3A_14 = arith.constant 0 : i32
    %dma_start3A_15 = tpu.memref_slice %arg10[%dma_start3A_14] : memref<3840xi32, #tpu.memory_space<vmem>> -> memref<960xi32, #tpu.memory_space<vmem>>
    %dma_start3A_16 = arith.constant 0 : i32
    %dma_start3A_17 = tpu.memref_slice %arg4[%dma_start3A_16] : memref<100000008xi32, #tpu.memory_space<hbm>> -> memref<100000008xi32, #tpu.memory_space<hbm>>
    tpu.enqueue_indirect_dma source(%dma_start3A_17 : memref<100000008xi32, #tpu.memory_space<hbm>>) target(%dma_start3A_13 : memref<960xi32, #tpu.memory_space<vmem>>) offsets(%dma_start3A_15 : memref<960xi32, #tpu.memory_space<vmem>>) semaphore(%arg14 : memref<!tpu.dma_semaphore, #tpu.memory_space<semaphore_mem>>)
    %dma_start3A_18 = arith.constant 960 : i32
    %dma_start3A_19 = tpu.memref_slice %arg8[%dma_start3A_18] : memref<3840xi32, #tpu.memory_space<vmem>> -> memref<960xi32, #tpu.memory_space<vmem>>
    %dma_start3A_20 = arith.constant 960 : i32
    %dma_start3A_21 = tpu.memref_slice %arg10[%dma_start3A_20] : memref<3840xi32, #tpu.memory_space<vmem>> -> memref<960xi32, #tpu.memory_space<vmem>>
    %dma_start3A_22 = arith.constant 0 : i32
    %dma_start3A_23 = tpu.memref_slice %arg4[%dma_start3A_22] : memref<100000008xi32, #tpu.memory_space<hbm>> -> memref<100000008xi32, #tpu.memory_space<hbm>>
    tpu.enqueue_indirect_dma source(%dma_start3A_23 : memref<100000008xi32, #tpu.memory_space<hbm>>) target(%dma_start3A_19 : memref<960xi32, #tpu.memory_space<vmem>>) offsets(%dma_start3A_21 : memref<960xi32, #tpu.memory_space<vmem>>) semaphore(%arg15 : memref<!tpu.dma_semaphore, #tpu.memory_space<semaphore_mem>>)
    %dma_start3A_24 = arith.constant 1920 : i32
    %dma_start3A_25 = tpu.memref_slice %arg8[%dma_start3A_24] : memref<3840xi32, #tpu.memory_space<vmem>> -> memref<960xi32, #tpu.memory_space<vmem>>
    %dma_start3A_26 = arith.constant 1920 : i32
    %dma_start3A_27 = tpu.memref_slice %arg10[%dma_start3A_26] : memref<3840xi32, #tpu.memory_space<vmem>> -> memref<960xi32, #tpu.memory_space<vmem>>
    %dma_start3A_28 = arith.constant 0 : i32
    %dma_start3A_29 = tpu.memref_slice %arg4[%dma_start3A_28] : memref<100000008xi32, #tpu.memory_space<hbm>> -> memref<100000008xi32, #tpu.memory_space<hbm>>
    tpu.enqueue_indirect_dma source(%dma_start3A_29 : memref<100000008xi32, #tpu.memory_space<hbm>>) target(%dma_start3A_25 : memref<960xi32, #tpu.memory_space<vmem>>) offsets(%dma_start3A_27 : memref<960xi32, #tpu.memory_space<vmem>>) semaphore(%arg14 : memref<!tpu.dma_semaphore, #tpu.memory_space<semaphore_mem>>)
    %dma_start3A_30 = arith.constant 2880 : i32
    %dma_start3A_31 = tpu.memref_slice %arg8[%dma_start3A_30] : memref<3840xi32, #tpu.memory_space<vmem>> -> memref<960xi32, #tpu.memory_space<vmem>>
    %dma_start3A_32 = arith.constant 2880 : i32
    %dma_start3A_33 = tpu.memref_slice %arg10[%dma_start3A_32] : memref<3840xi32, #tpu.memory_space<vmem>> -> memref<960xi32, #tpu.memory_space<vmem>>
    %dma_start3A_34 = arith.constant 0 : i32
    %dma_start3A_35 = tpu.memref_slice %arg4[%dma_start3A_34] : memref<100000008xi32, #tpu.memory_space<hbm>> -> memref<100000008xi32, #tpu.memory_space<hbm>>
    tpu.enqueue_indirect_dma source(%dma_start3A_35 : memref<100000008xi32, #tpu.memory_space<hbm>>) target(%dma_start3A_31 : memref<960xi32, #tpu.memory_space<vmem>>) offsets(%dma_start3A_33 : memref<960xi32, #tpu.memory_space<vmem>>) semaphore(%arg15 : memref<!tpu.dma_semaphore, #tpu.memory_space<semaphore_mem>>)
    %dma_wait3A = arith.constant 0 : i32
    %dma_wait3A_36 = tpu.memref_slice %arg8[%dma_wait3A] : memref<3840xi32, #tpu.memory_space<vmem>> -> memref<960xi32, #tpu.memory_space<vmem>>
    %dma_wait3A_37 = arith.constant 0 : i32
    %dma_wait3A_38 = tpu.memref_slice %arg10[%dma_wait3A_37] : memref<3840xi32, #tpu.memory_space<vmem>> -> memref<960xi32, #tpu.memory_space<vmem>>
    %dma_wait3A_39 = arith.constant 0 : i32
    %dma_wait3A_40 = tpu.memref_slice %arg4[%dma_wait3A_39] : memref<100000008xi32, #tpu.memory_space<hbm>> -> memref<100000008xi32, #tpu.memory_space<hbm>>
    tpu.wait_indirect_dma semaphore(%arg14 : memref<!tpu.dma_semaphore, #tpu.memory_space<semaphore_mem>>) src(%dma_wait3A_40 : memref<100000008xi32, #tpu.memory_space<hbm>>) dst(%dma_wait3A_36 : memref<960xi32, #tpu.memory_space<vmem>>)
    %dma_wait3A_41 = arith.constant 960 : i32
    %dma_wait3A_42 = tpu.memref_slice %arg8[%dma_wait3A_41] : memref<3840xi32, #tpu.memory_space<vmem>> -> memref<960xi32, #tpu.memory_space<vmem>>
    %dma_wait3A_43 = arith.constant 960 : i32
    %dma_wait3A_44 = tpu.memref_slice %arg10[%dma_wait3A_43] : memref<3840xi32, #tpu.memory_space<vmem>> -> memref<960xi32, #tpu.memory_space<vmem>>
    %dma_wait3A_45 = arith.constant 0 : i32
    %dma_wait3A_46 = tpu.memref_slice %arg4[%dma_wait3A_45] : memref<100000008xi32, #tpu.memory_space<hbm>> -> memref<100000008xi32, #tpu.memory_space<hbm>>
    tpu.wait_indirect_dma semaphore(%arg15 : memref<!tpu.dma_semaphore, #tpu.memory_space<semaphore_mem>>) src(%dma_wait3A_46 : memref<100000008xi32, #tpu.memory_space<hbm>>) dst(%dma_wait3A_42 : memref<960xi32, #tpu.memory_space<vmem>>)
    %dma_wait3A_47 = arith.constant 1920 : i32
    %dma_wait3A_48 = tpu.memref_slice %arg8[%dma_wait3A_47] : memref<3840xi32, #tpu.memory_space<vmem>> -> memref<960xi32, #tpu.memory_space<vmem>>
    %dma_wait3A_49 = arith.constant 1920 : i32
    %dma_wait3A_50 = tpu.memref_slice %arg10[%dma_wait3A_49] : memref<3840xi32, #tpu.memory_space<vmem>> -> memref<960xi32, #tpu.memory_space<vmem>>
    %dma_wait3A_51 = arith.constant 0 : i32
    %dma_wait3A_52 = tpu.memref_slice %arg4[%dma_wait3A_51] : memref<100000008xi32, #tpu.memory_space<hbm>> -> memref<100000008xi32, #tpu.memory_space<hbm>>
    tpu.wait_indirect_dma semaphore(%arg14 : memref<!tpu.dma_semaphore, #tpu.memory_space<semaphore_mem>>) src(%dma_wait3A_52 : memref<100000008xi32, #tpu.memory_space<hbm>>) dst(%dma_wait3A_48 : memref<960xi32, #tpu.memory_space<vmem>>)
    %dma_wait3A_53 = arith.constant 2880 : i32
    %dma_wait3A_54 = tpu.memref_slice %arg8[%dma_wait3A_53] : memref<3840xi32, #tpu.memory_space<vmem>> -> memref<960xi32, #tpu.memory_space<vmem>>
    %dma_wait3A_55 = arith.constant 2880 : i32
    %dma_wait3A_56 = tpu.memref_slice %arg10[%dma_wait3A_55] : memref<3840xi32, #tpu.memory_space<vmem>> -> memref<960xi32, #tpu.memory_space<vmem>>
    %dma_wait3A_57 = arith.constant 0 : i32
    %dma_wait3A_58 = tpu.memref_slice %arg4[%dma_wait3A_57] : memref<100000008xi32, #tpu.memory_space<hbm>> -> memref<100000008xi32, #tpu.memory_space<hbm>>
    tpu.wait_indirect_dma semaphore(%arg15 : memref<!tpu.dma_semaphore, #tpu.memory_space<semaphore_mem>>) src(%dma_wait3A_58 : memref<100000008xi32, #tpu.memory_space<hbm>>) dst(%dma_wait3A_54 : memref<960xi32, #tpu.memory_space<vmem>>)
    %scan3A_59 = arith.constant 0 : i32
    %scan3A_60 = arith.constant 0 : i32
    %scan3A_61 = arith.constant 240 : i32
    %scan3A_62 = arith.addi %scan3A_60, %scan3A_61 : i32
    %scan3A_63 = arith.constant 1 : i32
    %scan3A_64 = scf.for %scan3A_91 = %scan3A_60 to %scan3A_62 step %scan3A_63 iter_args(%scan3A_92 = %scan3A_59) -> (i32)  : i32 {
      %mul3A_93 = arith.constant 16 : i32
      %mul3A_94 = arith.muli %scan3A_91, %mul3A_93 : i32
      %get3A = arith.index_cast %mul3A_94 : i32 to index
      %get3A_95 = tpu.vector_load %arg8[%get3A] {strides = array<i32>} : memref<3840xi32, #tpu.memory_space<vmem>>, vector<16xi32>,
      %get3A_96 = vector.shape_cast %get3A_95 : vector<16xi32> to vector<16xi32>
      %add3A_97 = arith.addi %mul3A_2, %mul3A_94 : i32
      %add3A_98 = vector.broadcast %add3A_97 : i32 to vector<16xi32>
      %add3A_99 = arith.addi %add3A_98, %iota3A : vector<16xi32>
      %div3A = arith.constant 128 : i32
      %div3A_100 = arith.divsi %mul3A_94, %div3A : i32
      %rem3A = arith.constant 128 : i32
      %rem3A_101 = arith.remsi %mul3A_94, %rem3A : i32
      %get3A_102 = arith.index_cast %div3A_100 : i32 to index
      %get3A_103 = arith.index_cast %rem3A_101 : i32 to index
      %get3A_104 = tpu.vector_load %arg11[%get3A_102, %get3A_103] {strides = array<i32>} : memref<30x128xi32, #tpu.memory_space<vmem>>, vector<1x16xi32>,
      %get3A_105 = vector.shape_cast %get3A_104 : vector<1x16xi32> to vector<16xi32>
      %eq3A = arith.cmpi eq, %get3A_96, %add3A_99 : vector<16xi32>
      %jit3A = arith.constant 10000 : i32
      %broadcast_in_dim3A = vector.broadcast %jit3A : i32 to vector<16xi32>
      %select_n3A = arith.select %eq3A, %get3A_105, %broadcast_in_dim3A : vector<16xi1>, vector<16xi32>
      %swap3A = arith.index_cast %div3A_100 : i32 to index
      %swap3A_106 = arith.index_cast %rem3A_101 : i32 to index
      %swap3A_107 = tpu.vector_load %arg11[%swap3A, %swap3A_106] {strides = array<i32>} : memref<30x128xi32, #tpu.memory_space<vmem>>, vector<1x16xi32>,
      %swap3A_108 = vector.shape_cast %swap3A_107 : vector<1x16xi32> to vector<16xi32>
      %swap3A_109 = vector.shape_cast %select_n3A : vector<16xi32> to vector<1x16xi32>
      tpu.vector_store %arg11[%swap3A, %swap3A_106], %swap3A_109 {strides = array<i32>} : memref<30x128xi32, #tpu.memory_space<vmem>>, vector<1x16xi32>,
      %scan3A_110 = arith.constant 0 : i32
      scf.yield %scan3A_110 : i32
    }
    %scan3A_65 = arith.constant 240 : i32
    %dma_start3A_66 = arith.constant 0 : i32
    %dma_start3A_67 = arith.constant 0 : i32
    %dma_start3A_68 = arith.constant 0 : i32
    %dma_start3A_69 = tpu.memref_slice %arg12[%dma_start3A_66, %dma_start3A_67, %dma_start3A_68] : memref<2x128x128xf32, #tpu.memory_space<vmem>> -> memref<1x128x128xf32, #tpu.memory_space<vmem>>
    %dma_start3A_70 = tpu.memref_squeeze %dma_start3A_69 : memref<1x128x128xf32, #tpu.memory_space<vmem>> -> memref<128x128xf32, #tpu.memory_space<vmem>>
    %dma_start3A_71 = arith.constant 0 : i32
    %dma_start3A_72 = tpu.memref_slice %arg9[%dma_start3A_71] : memref<3840xi32, #tpu.memory_space<vmem>> -> memref<128xi32, #tpu.memory_space<vmem>>
    %dma_start3A_73 = arith.constant 0 : i32
    %dma_start3A_74 = arith.constant 0 : i32
    %dma_start3A_75 = tpu.memref_slice %arg5[%dma_start3A_73, %dma_start3A_74] : memref<10000x128xf32, #tpu.memory_space<hbm>> -> memref<10000x128xf32, #tpu.memory_space<hbm>>
    tpu.enqueue_indirect_dma source(%dma_start3A_75 : memref<10000x128xf32, #tpu.memory_space<hbm>>) target(%dma_start3A_70 : memref<128x128xf32, #tpu.memory_space<vmem>>) offsets(%dma_start3A_72 : memref<128xi32, #tpu.memory_space<vmem>>) semaphore(%arg14 : memref<!tpu.dma_semaphore, #tpu.memory_space<semaphore_mem>>)
    %scan3A_76 = arith.constant 0 : i32
    %scan3A_77 = arith.constant 0 : i32
    %scan3A_78 = arith.constant 15 : i32
    %scan3A_79 = arith.addi %scan3A_77, %scan3A_78 : i32
    %scan3A_80 = arith.constant 1 : i32
    %scan3A_81 = scf.for %scan3A_91 = %scan3A_77 to %scan3A_79 step %scan3A_80 iter_args(%scan3A_92 = %scan3A_76) -> (i32)  : i32 {
      %mul3A_93 = arith.constant 2 : i32
      %mul3A_94 = arith.muli %mul3A_93, %scan3A_91 : i32
      %mul3A_95 = arith.constant 2 : i32
      %mul3A_96 = arith.muli %mul3A_95, %scan3A_91 : i32
      %add3A_97 = arith.constant 1 : i32
      %add3A_98 = arith.addi %mul3A_96, %add3A_97 : i32
      %mul3A_99 = arith.constant 128 : i32
      %mul3A_100 = arith.muli %add3A_98, %mul3A_99 : i32
      %dma_start3A_101 = arith.constant 1 : i32
      %dma_start3A_102 = arith.constant 0 : i32
      %dma_start3A_103 = arith.constant 0 : i32
      %dma_start3A_104 = tpu.memref_slice %arg12[%dma_start3A_101, %dma_start3A_102, %dma_start3A_103] : memref<2x128x128xf32, #tpu.memory_space<vmem>> -> memref<1x128x128xf32, #tpu.memory_space<vmem>>
      %dma_start3A_105 = tpu.memref_squeeze %dma_start3A_104 : memref<1x128x128xf32, #tpu.memory_space<vmem>> -> memref<128x128xf32, #tpu.memory_space<vmem>>
      %dma_start3A_106 = tpu.memref_slice %arg9[%mul3A_100] : memref<3840xi32, #tpu.memory_space<vmem>> -> memref<128xi32, #tpu.memory_space<vmem>>
      %dma_start3A_107 = arith.constant 0 : i32
      %dma_start3A_108 = arith.constant 0 : i32
      %dma_start3A_109 = tpu.memref_slice %arg5[%dma_start3A_107, %dma_start3A_108] : memref<10000x128xf32, #tpu.memory_space<hbm>> -> memref<10000x128xf32, #tpu.memory_space<hbm>>
      tpu.enqueue_indirect_dma source(%dma_start3A_109 : memref<10000x128xf32, #tpu.memory_space<hbm>>) target(%dma_start3A_105 : memref<128x128xf32, #tpu.memory_space<vmem>>) offsets(%dma_start3A_106 : memref<128xi32, #tpu.memory_space<vmem>>) semaphore(%arg15 : memref<!tpu.dma_semaphore, #tpu.memory_space<semaphore_mem>>)
      %mul3A_110 = arith.constant 128 : i32
      %mul3A_111 = arith.muli %mul3A_94, %mul3A_110 : i32
      %dma_wait3A_112 = arith.constant 0 : i32
      %dma_wait3A_113 = arith.constant 0 : i32
      %dma_wait3A_114 = arith.constant 0 : i32
      %dma_wait3A_115 = tpu.memref_slice %arg12[%dma_wait3A_112, %dma_wait3A_113, %dma_wait3A_114] : memref<2x128x128xf32, #tpu.memory_space<vmem>> -> memref<1x128x128xf32, #tpu.memory_space<vmem>>
      %dma_wait3A_116 = tpu.memref_squeeze %dma_wait3A_115 : memref<1x128x128xf32, #tpu.memory_space<vmem>> -> memref<128x128xf32, #tpu.memory_space<vmem>>
      %dma_wait3A_117 = tpu.memref_slice %arg9[%mul3A_111] : memref<3840xi32, #tpu.memory_space<vmem>> -> memref<128xi32, #tpu.memory_space<vmem>>
      %dma_wait3A_118 = arith.constant 0 : i32
      %dma_wait3A_119 = arith.constant 0 : i32
      %dma_wait3A_120 = tpu.memref_slice %arg5[%dma_wait3A_118, %dma_wait3A_119] : memref<10000x128xf32, #tpu.memory_space<hbm>> -> memref<10000x128xf32, #tpu.memory_space<hbm>>
      tpu.wait_indirect_dma semaphore(%arg14 : memref<!tpu.dma_semaphore, #tpu.memory_space<semaphore_mem>>) src(%dma_wait3A_120 : memref<10000x128xf32, #tpu.memory_space<hbm>>) dst(%dma_wait3A_116 : memref<128x128xf32, #tpu.memory_space<vmem>>)
      %run_scoped3A = arith.constant 0 : i32
      "tpu.region"() ({
        %run_scoped3A_138 = tpu.sem_alloc : memref<!tpu.dma_semaphore, #tpu.memory_space<semaphore_mem>>
        %dma_start3A_139 = arith.constant 0 : i32
        %dma_start3A_140 = arith.constant 0 : i32
        %dma_start3A_141 = tpu.memref_slice %arg12[%run_scoped3A, %dma_start3A_139, %dma_start3A_140] : memref<2x128x128xf32, #tpu.memory_space<vmem>> -> memref<1x128x128xf32, #tpu.memory_space<vmem>>
        %dma_start3A_142 = tpu.memref_squeeze %dma_start3A_141 : memref<1x128x128xf32, #tpu.memory_space<vmem>> -> memref<128x128xf32, #tpu.memory_space<vmem>>
        %dma_start3A_143 = arith.constant 0 : i32
        %dma_start3A_144 = tpu.memref_slice %arg11[%mul3A_94, %dma_start3A_143] : memref<30x128xi32, #tpu.memory_space<vmem>> -> memref<1x128xi32, #tpu.memory_space<vmem>>
        %dma_start3A_145 = tpu.memref_squeeze %dma_start3A_144 : memref<1x128xi32, #tpu.memory_space<vmem>> -> memref<128xi32, #tpu.memory_space<vmem>>
        %dma_start3A_146 = arith.constant 0 : i32
        %dma_start3A_147 = arith.constant 0 : i32
        %dma_start3A_148 = tpu.memref_slice %arg13[%dma_start3A_146, %dma_start3A_147] : memref<10112x128xf32, #tpu.memory_space<vmem_shared>> -> memref<10112x128xf32, #tpu.memory_space<vmem_shared>>
        tpu.enqueue_indirect_dma source(%dma_start3A_142 : memref<128x128xf32, #tpu.memory_space<vmem>>) target(%dma_start3A_148 : memref<10112x128xf32, #tpu.memory_space<vmem_shared>>) offsets(%dma_start3A_145 : memref<128xi32, #tpu.memory_space<vmem>>) semaphore(%run_scoped3A_138 : memref<!tpu.dma_semaphore, #tpu.memory_space<semaphore_mem>>) {add = true}
        %dma_wait3A_149 = arith.constant 0 : i32
        %dma_wait3A_150 = arith.constant 0 : i32
        %dma_wait3A_151 = tpu.memref_slice %arg12[%run_scoped3A, %dma_wait3A_149, %dma_wait3A_150] : memref<2x128x128xf32, #tpu.memory_space<vmem>> -> memref<1x128x128xf32, #tpu.memory_space<vmem>>
        %dma_wait3A_152 = tpu.memref_squeeze %dma_wait3A_151 : memref<1x128x128xf32, #tpu.memory_space<vmem>> -> memref<128x128xf32, #tpu.memory_space<vmem>>
        %dma_wait3A_153 = arith.constant 0 : i32
        %dma_wait3A_154 = tpu.memref_slice %arg11[%mul3A_94, %dma_wait3A_153] : memref<30x128xi32, #tpu.memory_space<vmem>> -> memref<1x128xi32, #tpu.memory_space<vmem>>
        %dma_wait3A_155 = tpu.memref_squeeze %dma_wait3A_154 : memref<1x128xi32, #tpu.memory_space<vmem>> -> memref<128xi32, #tpu.memory_space<vmem>>
        %dma_wait3A_156 = arith.constant 0 : i32
        %dma_wait3A_157 = arith.constant 0 : i32
        %dma_wait3A_158 = tpu.memref_slice %arg13[%dma_wait3A_156, %dma_wait3A_157] : memref<10112x128xf32, #tpu.memory_space<vmem_shared>> -> memref<10112x128xf32, #tpu.memory_space<vmem_shared>>
        tpu.wait_indirect_dma semaphore(%run_scoped3A_138 : memref<!tpu.dma_semaphore, #tpu.memory_space<semaphore_mem>>) src(%dma_wait3A_152 : memref<128x128xf32, #tpu.memory_space<vmem>>) dst(%dma_wait3A_158 : memref<10112x128xf32, #tpu.memory_space<vmem_shared>>)
        tpu.yield
      }) : () -> ()
      %add3A_121 = arith.constant 1 : i32
      %add3A_122 = arith.addi %add3A_98, %add3A_121 : i32
      %lt3A = arith.constant 30 : i32
      %lt3A_123 = arith.cmpi slt, %add3A_122, %lt3A : i32
      %convert_element_type3A = arith.extui %lt3A_123 : i1 to i32
      %cond3A = arith.constant 0 : i32
      %cond3A_124 = arith.cmpi ne, %convert_element_type3A, %cond3A : i32
      scf.if %cond3A_124 {
        %add3A_138 = arith.constant 1 : i32
        %add3A_139 = arith.addi %add3A_98, %add3A_138 : i32
        %mul3A_140 = arith.constant 128 : i32
        %mul3A_141 = arith.muli %add3A_139, %mul3A_140 : i32
        %dma_start3A_142 = arith.constant 0 : i32
        %dma_start3A_143 = arith.constant 0 : i32
        %dma_start3A_144 = arith.constant 0 : i32
        %dma_start3A_145 = tpu.memref_slice %arg12[%dma_start3A_142, %dma_start3A_143, %dma_start3A_144] : memref<2x128x128xf32, #tpu.memory_space<vmem>> -> memref<1x128x128xf32, #tpu.memory_space<vmem>>
        %dma_start3A_146 = tpu.memref_squeeze %dma_start3A_145 : memref<1x128x128xf32, #tpu.memory_space<vmem>> -> memref<128x128xf32, #tpu.memory_space<vmem>>
        %dma_start3A_147 = tpu.memref_slice %arg9[%mul3A_141] : memref<3840xi32, #tpu.memory_space<vmem>> -> memref<128xi32, #tpu.memory_space<vmem>>
        %dma_start3A_148 = arith.constant 0 : i32
        %dma_start3A_149 = arith.constant 0 : i32
        %dma_start3A_150 = tpu.memref_slice %arg5[%dma_start3A_148, %dma_start3A_149] : memref<10000x128xf32, #tpu.memory_space<hbm>> -> memref<10000x128xf32, #tpu.memory_space<hbm>>
        tpu.enqueue_indirect_dma source(%dma_start3A_150 : memref<10000x128xf32, #tpu.memory_space<hbm>>) target(%dma_start3A_146 : memref<128x128xf32, #tpu.memory_space<vmem>>) offsets(%dma_start3A_147 : memref<128xi32, #tpu.memory_space<vmem>>) semaphore(%arg14 : memref<!tpu.dma_semaphore, #tpu.memory_space<semaphore_mem>>)
      } else {
      }
      %mul3A_125 = arith.constant 128 : i32
      %mul3A_126 = arith.muli %add3A_98, %mul3A_125 : i32
      %dma_wait3A_127 = arith.constant 1 : i32
      %dma_wait3A_128 = arith.constant 0 : i32
      %dma_wait3A_129 = arith.constant 0 : i32
      %dma_wait3A_130 = tpu.memref_slice %arg12[%dma_wait3A_127, %dma_wait3A_128, %dma_wait3A_129] : memref<2x128x128xf32, #tpu.memory_space<vmem>> -> memref<1x128x128xf32, #tpu.memory_space<vmem>>
      %dma_wait3A_131 = tpu.memref_squeeze %dma_wait3A_130 : memref<1x128x128xf32, #tpu.memory_space<vmem>> -> memref<128x128xf32, #tpu.memory_space<vmem>>
      %dma_wait3A_132 = tpu.memref_slice %arg9[%mul3A_126] : memref<3840xi32, #tpu.memory_space<vmem>> -> memref<128xi32, #tpu.memory_space<vmem>>
      %dma_wait3A_133 = arith.constant 0 : i32
      %dma_wait3A_134 = arith.constant 0 : i32
      %dma_wait3A_135 = tpu.memref_slice %arg5[%dma_wait3A_133, %dma_wait3A_134] : memref<10000x128xf32, #tpu.memory_space<hbm>> -> memref<10000x128xf32, #tpu.memory_space<hbm>>
      tpu.wait_indirect_dma semaphore(%arg15 : memref<!tpu.dma_semaphore, #tpu.memory_space<semaphore_mem>>) src(%dma_wait3A_135 : memref<10000x128xf32, #tpu.memory_space<hbm>>) dst(%dma_wait3A_131 : memref<128x128xf32, #tpu.memory_space<vmem>>)
      %run_scoped3A_136 = arith.constant 1 : i32
      "tpu.region"() ({
        %run_scoped3A_138 = tpu.sem_alloc : memref<!tpu.dma_semaphore, #tpu.memory_space<semaphore_mem>>
        %dma_start3A_139 = arith.constant 0 : i32
        %dma_start3A_140 = arith.constant 0 : i32
        %dma_start3A_141 = tpu.memref_slice %arg12[%run_scoped3A_136, %dma_start3A_139, %dma_start3A_140] : memref<2x128x128xf32, #tpu.memory_space<vmem>> -> memref<1x128x128xf32, #tpu.memory_space<vmem>>
        %dma_start3A_142 = tpu.memref_squeeze %dma_start3A_141 : memref<1x128x128xf32, #tpu.memory_space<vmem>> -> memref<128x128xf32, #tpu.memory_space<vmem>>
        %dma_start3A_143 = arith.constant 0 : i32
        %dma_start3A_144 = tpu.memref_slice %arg11[%add3A_98, %dma_start3A_143] : memref<30x128xi32, #tpu.memory_space<vmem>> -> memref<1x128xi32, #tpu.memory_space<vmem>>
        %dma_start3A_145 = tpu.memref_squeeze %dma_start3A_144 : memref<1x128xi32, #tpu.memory_space<vmem>> -> memref<128xi32, #tpu.memory_space<vmem>>
        %dma_start3A_146 = arith.constant 0 : i32
        %dma_start3A_147 = arith.constant 0 : i32
        %dma_start3A_148 = tpu.memref_slice %arg13[%dma_start3A_146, %dma_start3A_147] : memref<10112x128xf32, #tpu.memory_space<vmem_shared>> -> memref<10112x128xf32, #tpu.memory_space<vmem_shared>>
        tpu.enqueue_indirect_dma source(%dma_start3A_142 : memref<128x128xf32, #tpu.memory_space<vmem>>) target(%dma_start3A_148 : memref<10112x128xf32, #tpu.memory_space<vmem_shared>>) offsets(%dma_start3A_145 : memref<128xi32, #tpu.memory_space<vmem>>) semaphore(%run_scoped3A_138 : memref<!tpu.dma_semaphore, #tpu.memory_space<semaphore_mem>>) {add = true}
        %dma_wait3A_149 = arith.constant 0 : i32
        %dma_wait3A_150 = arith.constant 0 : i32
        %dma_wait3A_151 = tpu.memref_slice %arg12[%run_scoped3A_136, %dma_wait3A_149, %dma_wait3A_150] : memref<2x128x128xf32, #tpu.memory_space<vmem>> -> memref<1x128x128xf32, #tpu.memory_space<vmem>>
        %dma_wait3A_152 = tpu.memref_squeeze %dma_wait3A_151 : memref<1x128x128xf32, #tpu.memory_space<vmem>> -> memref<128x128xf32, #tpu.memory_space<vmem>>
        %dma_wait3A_153 = arith.constant 0 : i32
        %dma_wait3A_154 = tpu.memref_slice %arg11[%add3A_98, %dma_wait3A_153] : memref<30x128xi32, #tpu.memory_space<vmem>> -> memref<1x128xi32, #tpu.memory_space<vmem>>
        %dma_wait3A_155 = tpu.memref_squeeze %dma_wait3A_154 : memref<1x128xi32, #tpu.memory_space<vmem>> -> memref<128xi32, #tpu.memory_space<vmem>>
        %dma_wait3A_156 = arith.constant 0 : i32
        %dma_wait3A_157 = arith.constant 0 : i32
        %dma_wait3A_158 = tpu.memref_slice %arg13[%dma_wait3A_156, %dma_wait3A_157] : memref<10112x128xf32, #tpu.memory_space<vmem_shared>> -> memref<10112x128xf32, #tpu.memory_space<vmem_shared>>
        tpu.wait_indirect_dma semaphore(%run_scoped3A_138 : memref<!tpu.dma_semaphore, #tpu.memory_space<semaphore_mem>>) src(%dma_wait3A_152 : memref<128x128xf32, #tpu.memory_space<vmem>>) dst(%dma_wait3A_158 : memref<10112x128xf32, #tpu.memory_space<vmem_shared>>)
        tpu.yield
      }) : () -> ()
      %scan3A_137 = arith.constant 0 : i32
      scf.yield %scan3A_137 : i32
    }
    %scan3A_82 = arith.constant 15 : i32
    %barrier3A_83 = arith.constant 0 : index
    tpu.barrier barrier_id(%barrier3A_83)
    %mul3A_84 = arith.constant 632 : i32
    %mul3A_85 = arith.muli %arg1, %mul3A_84 : i32
    %mul3A_86 = arith.constant 10112 : i32
    %mul3A_87 = arith.muli %arg0, %mul3A_86 : i32
    %mul3A_88 = arith.constant 632 : i32
    %mul3A_89 = arith.muli %arg1, %mul3A_88 : i32
    %add3A_90 = arith.addi %mul3A_87, %mul3A_89 : i32
    "tpu.region"() ({
      %run_scoped3A = tpu.sem_alloc : memref<!tpu.dma_semaphore, #tpu.memory_space<semaphore_mem>>
      %dma_start3A_91 = arith.constant 0 : i32
      %dma_start3A_92 = tpu.memref_slice %arg7[%add3A_90, %dma_start3A_91] : memref<20224x128xf32, #tpu.memory_space<hbm>> -> memref<632x128xf32, #tpu.memory_space<hbm>>
      %dma_start3A_93 = arith.constant 0 : i32
      %dma_start3A_94 = tpu.memref_slice %arg13[%mul3A_85, %dma_start3A_93] : memref<10112x128xf32, #tpu.memory_space<vmem_shared>> -> memref<632x128xf32, #tpu.memory_space<vmem_shared>>
      tpu.enqueue_dma source(%dma_start3A_94 : memref<632x128xf32, #tpu.memory_space<vmem_shared>>) target(%dma_start3A_92 : memref<632x128xf32, #tpu.memory_space<hbm>>) target_semaphore(%run_scoped3A : memref<!tpu.dma_semaphore, #tpu.memory_space<semaphore_mem>>)
      %dma_wait3A_95 = arith.constant 0 : i32
      %dma_wait3A_96 = tpu.memref_slice %arg7[%add3A_90, %dma_wait3A_95] : memref<20224x128xf32, #tpu.memory_space<hbm>> -> memref<632x128xf32, #tpu.memory_space<hbm>>
      %dma_wait3A_97 = arith.constant 0 : i32
      %dma_wait3A_98 = tpu.memref_slice %arg13[%mul3A_85, %dma_wait3A_97] : memref<10112x128xf32, #tpu.memory_space<vmem_shared>> -> memref<632x128xf32, #tpu.memory_space<vmem_shared>>
      tpu.wait_dma2 semaphore(%run_scoped3A : memref<!tpu.dma_semaphore, #tpu.memory_space<semaphore_mem>>) src(%dma_wait3A_98 : memref<632x128xf32, #tpu.memory_space<vmem_shared>>) dst(%dma_wait3A_96 : memref<632x128xf32, #tpu.memory_space<hbm>>)
      tpu.yield
    }) : () -> ()
    return
  }
}

module attributes {stable_mosaic.version = 14 : i64} {
  func.func @_tc_encode_body(%arg0: memref<10000x1xi32, #tpu.memory_space<vmem>>, %arg1: memref<10000x2xf32, #tpu.memory_space<vmem>>, %arg2: memref<10000x2xf32, #tpu.memory_space<vmem>>, %arg3: memref<1x2xf32, #tpu.memory_space<vmem>>, %arg4: memref<1x2xf32, #tpu.memory_space<vmem>>, %arg5: memref<1x9xf32, #tpu.memory_space<vmem>>, %arg6: memref<1x9xf32, #tpu.memory_space<vmem>>, %arg7: memref<1x2xf32, #tpu.memory_space<vmem>>, %arg8: memref<1x2xf32, #tpu.memory_space<vmem>>, %arg9: memref<1x2xf32, #tpu.memory_space<vmem>>, %arg10: memref<1x2xf32, #tpu.memory_space<vmem>>, %arg11: memref<2x128xf32, #tpu.memory_space<vmem>>, %arg12: memref<9x128xf32, #tpu.memory_space<vmem>>, %arg13: memref<2x128xf32, #tpu.memory_space<vmem>>, %arg14: memref<2x128xf32, #tpu.memory_space<vmem>>, %arg15: memref<1x128xf32, #tpu.memory_space<vmem>>, %arg16: memref<10000x128xf32, #tpu.memory_space<vmem>>) attributes {dimension_semantics = [], scalar_prefetch = 0 : i64, scratch_operands = 0 : i64, tpu.core_type = #tpu.core_type<tc>} {
    %get3A = arith.constant 0 : index
    %get3A_0 = arith.constant 0 : index
    %get3A_1 = vector.load %arg0[%get3A, %get3A_0] : memref<10000x1xi32, #tpu.memory_space<vmem>>, vector<10000x1xi32>
    %iota3A = tpu.iota {dimensions = array<i32: 1>} : vector<10000x9xi32>
    %eq3A = vector.broadcast %get3A_1 : vector<10000x1xi32> to vector<10000x9xi32>
    %eq3A_2 = arith.cmpi eq, %iota3A, %eq3A : vector<10000x9xi32>
    %convert_element_type3A = arith.extui %eq3A_2 : vector<10000x9xi1> to vector<10000x9xi32>
    %convert_element_type3A_3 = arith.sitofp %convert_element_type3A : vector<10000x9xi32> to vector<10000x9xf32>
    %get3A_4 = arith.constant 0 : index
    %get3A_5 = arith.constant 0 : index
    %get3A_6 = vector.load %arg1[%get3A_4, %get3A_5] : memref<10000x2xf32, #tpu.memory_space<vmem>>, vector<10000x2xf32>
    %get3A_7 = arith.constant 0 : index
    %get3A_8 = arith.constant 0 : index
    %get3A_9 = vector.load %arg3[%get3A_7, %get3A_8] : memref<1x2xf32, #tpu.memory_space<vmem>>, vector<1x2xf32>
    %sub3A = vector.broadcast %get3A_9 : vector<1x2xf32> to vector<10000x2xf32>
    %sub3A_10 = arith.subf %get3A_6, %sub3A : vector<10000x2xf32>
    %get3A_11 = arith.constant 0 : index
    %get3A_12 = arith.constant 0 : index
    %get3A_13 = vector.load %arg4[%get3A_11, %get3A_12] : memref<1x2xf32, #tpu.memory_space<vmem>>, vector<1x2xf32>
    %div3A = vector.broadcast %get3A_13 : vector<1x2xf32> to vector<10000x2xf32>
    %div3A_14 = arith.divf %sub3A_10, %div3A : vector<10000x2xf32>
    %get3A_15 = arith.constant 0 : index
    %get3A_16 = arith.constant 0 : index
    %get3A_17 = vector.load %arg5[%get3A_15, %get3A_16] : memref<1x9xf32, #tpu.memory_space<vmem>>, vector<1x9xf32>
    %sub3A_18 = vector.broadcast %get3A_17 : vector<1x9xf32> to vector<10000x9xf32>
    %sub3A_19 = arith.subf %convert_element_type3A_3, %sub3A_18 : vector<10000x9xf32>
    %get3A_20 = arith.constant 0 : index
    %get3A_21 = arith.constant 0 : index
    %get3A_22 = vector.load %arg6[%get3A_20, %get3A_21] : memref<1x9xf32, #tpu.memory_space<vmem>>, vector<1x9xf32>
    %div3A_23 = vector.broadcast %get3A_22 : vector<1x9xf32> to vector<10000x9xf32>
    %div3A_24 = arith.divf %sub3A_19, %div3A_23 : vector<10000x9xf32>
    %get3A_25 = arith.constant 0 : index
    %get3A_26 = arith.constant 0 : index
    %get3A_27 = vector.load %arg2[%get3A_25, %get3A_26] : memref<10000x2xf32, #tpu.memory_space<vmem>>, vector<10000x2xf32>
    %get3A_28 = arith.constant 0 : index
    %get3A_29 = arith.constant 0 : index
    %get3A_30 = vector.load %arg7[%get3A_28, %get3A_29] : memref<1x2xf32, #tpu.memory_space<vmem>>, vector<1x2xf32>
    %sub3A_31 = vector.broadcast %get3A_30 : vector<1x2xf32> to vector<10000x2xf32>
    %sub3A_32 = arith.subf %get3A_27, %sub3A_31 : vector<10000x2xf32>
    %get3A_33 = arith.constant 0 : index
    %get3A_34 = arith.constant 0 : index
    %get3A_35 = vector.load %arg8[%get3A_33, %get3A_34] : memref<1x2xf32, #tpu.memory_space<vmem>>, vector<1x2xf32>
    %div3A_36 = vector.broadcast %get3A_35 : vector<1x2xf32> to vector<10000x2xf32>
    %div3A_37 = arith.divf %sub3A_32, %div3A_36 : vector<10000x2xf32>
    %get3A_38 = arith.constant 0 : index
    %get3A_39 = arith.constant 0 : index
    %get3A_40 = vector.load %arg2[%get3A_38, %get3A_39] : memref<10000x2xf32, #tpu.memory_space<vmem>>, vector<10000x2xf32>
    %get3A_41 = arith.constant 0 : index
    %get3A_42 = arith.constant 0 : index
    %get3A_43 = vector.load %arg9[%get3A_41, %get3A_42] : memref<1x2xf32, #tpu.memory_space<vmem>>, vector<1x2xf32>
    %sub3A_44 = vector.broadcast %get3A_43 : vector<1x2xf32> to vector<10000x2xf32>
    %sub3A_45 = arith.subf %get3A_40, %sub3A_44 : vector<10000x2xf32>
    %get3A_46 = arith.constant 0 : index
    %get3A_47 = arith.constant 0 : index
    %get3A_48 = vector.load %arg10[%get3A_46, %get3A_47] : memref<1x2xf32, #tpu.memory_space<vmem>>, vector<1x2xf32>
    %div3A_49 = vector.broadcast %get3A_48 : vector<1x2xf32> to vector<10000x2xf32>
    %div3A_50 = arith.divf %sub3A_45, %div3A_49 : vector<10000x2xf32>
    %get3A_51 = arith.constant 0 : index
    %get3A_52 = arith.constant 0 : index
    %get3A_53 = vector.load %arg11[%get3A_51, %get3A_52] : memref<2x128xf32, #tpu.memory_space<vmem>>, vector<2x128xf32>
    %dot_general3A = arith.constant dense<0.000000e+00> : vector<10000x128xf32>
    %dot_general3A_54 = tpu.matmul %div3A_14, %get3A_53, %dot_general3A {dimension_numbers = #tpu.dot_dimension_numbers<[1], [0], [0], [1], [0, 0, 1, 1], [], []>, transpose_lhs_hint = false} : vector<10000x2xf32>, vector<2x128xf32>, vector<10000x128xf32> -> vector<10000x128xf32>
    %get3A_55 = arith.constant 0 : index
    %get3A_56 = arith.constant 0 : index
    %get3A_57 = vector.load %arg12[%get3A_55, %get3A_56] : memref<9x128xf32, #tpu.memory_space<vmem>>, vector<9x128xf32>
    %dot_general3A_58 = arith.constant dense<0.000000e+00> : vector<10000x128xf32>
    %dot_general3A_59 = tpu.matmul %div3A_24, %get3A_57, %dot_general3A_58 {dimension_numbers = #tpu.dot_dimension_numbers<[1], [0], [0], [1], [0, 0, 1, 1], [], []>, transpose_lhs_hint = false} : vector<10000x9xf32>, vector<9x128xf32>, vector<10000x128xf32> -> vector<10000x128xf32>
    %add3A = arith.addf %dot_general3A_54, %dot_general3A_59 : vector<10000x128xf32>
    %get3A_60 = arith.constant 0 : index
    %get3A_61 = arith.constant 0 : index
    %get3A_62 = vector.load %arg13[%get3A_60, %get3A_61] : memref<2x128xf32, #tpu.memory_space<vmem>>, vector<2x128xf32>
    %dot_general3A_63 = arith.constant dense<0.000000e+00> : vector<10000x128xf32>
    %dot_general3A_64 = tpu.matmul %div3A_37, %get3A_62, %dot_general3A_63 {dimension_numbers = #tpu.dot_dimension_numbers<[1], [0], [0], [1], [0, 0, 1, 1], [], []>, transpose_lhs_hint = false} : vector<10000x2xf32>, vector<2x128xf32>, vector<10000x128xf32> -> vector<10000x128xf32>
    %add3A_65 = arith.addf %add3A, %dot_general3A_64 : vector<10000x128xf32>
    %get3A_66 = arith.constant 0 : index
    %get3A_67 = arith.constant 0 : index
    %get3A_68 = vector.load %arg14[%get3A_66, %get3A_67] : memref<2x128xf32, #tpu.memory_space<vmem>>, vector<2x128xf32>
    %dot_general3A_69 = arith.constant dense<0.000000e+00> : vector<10000x128xf32>
    %dot_general3A_70 = tpu.matmul %div3A_50, %get3A_68, %dot_general3A_69 {dimension_numbers = #tpu.dot_dimension_numbers<[1], [0], [0], [1], [0, 0, 1, 1], [], []>, transpose_lhs_hint = false} : vector<10000x2xf32>, vector<2x128xf32>, vector<10000x128xf32> -> vector<10000x128xf32>
    %add3A_71 = arith.addf %add3A_65, %dot_general3A_70 : vector<10000x128xf32>
    %get3A_72 = arith.constant 0 : index
    %get3A_73 = arith.constant 0 : index
    %get3A_74 = vector.load %arg15[%get3A_72, %get3A_73] : memref<1x128xf32, #tpu.memory_space<vmem>>, vector<1x128xf32>
    %add3A_75 = vector.broadcast %get3A_74 : vector<1x128xf32> to vector<10000x128xf32>
    %add3A_76 = arith.addf %add3A_71, %add3A_75 : vector<10000x128xf32>
    %max3A = arith.constant 0.000000e+00 : f32
    %max3A_77 = vector.broadcast %max3A : f32 to vector<10000x128xf32>
    %max3A_78 = arith.maximumf %add3A_76, %max3A_77 : vector<10000x128xf32>
    %swap3A = arith.constant 0 : index
    %swap3A_79 = arith.constant 0 : index
    %swap3A_80 = vector.load %arg16[%swap3A, %swap3A_79] : memref<10000x128xf32, #tpu.memory_space<vmem>>, vector<10000x128xf32>
    tpu.vector_store %arg16[%swap3A, %swap3A_79], %max3A_78 {strides = array<i32>} : memref<10000x128xf32, #tpu.memory_space<vmem>>, vector<10000x128xf32>,
    return
  }
}

module attributes {stable_mosaic.version = 14 : i64} {
  func.func @_tc_final_body(%arg0: memref<10000x128xf32, #tpu.memory_space<vmem>>, %arg1: memref<10000x128xf32, #tpu.memory_space<vmem>>, %arg2: memref<10000x128xf32, #tpu.memory_space<vmem>>, %arg3: memref<128x32xf32, #tpu.memory_space<vmem>>, %arg4: memref<128x32xf32, #tpu.memory_space<vmem>>, %arg5: memref<1x32xf32, #tpu.memory_space<vmem>>, %arg6: memref<32x2xf32, #tpu.memory_space<vmem>>, %arg7: memref<1x2xf32, #tpu.memory_space<vmem>>, %arg8: memref<10000x2xf32, #tpu.memory_space<vmem>>) attributes {dimension_semantics = [], scalar_prefetch = 0 : i64, scratch_operands = 0 : i64, tpu.core_type = #tpu.core_type<tc>} {
    %get3A = arith.constant 0 : index
    %get3A_0 = arith.constant 0 : index
    %get3A_1 = vector.load %arg1[%get3A, %get3A_0] : memref<10000x128xf32, #tpu.memory_space<vmem>>, vector<10000x128xf32>
    %get3A_2 = arith.constant 0 : index
    %get3A_3 = arith.constant 0 : index
    %get3A_4 = vector.load %arg2[%get3A_2, %get3A_3] : memref<10000x128xf32, #tpu.memory_space<vmem>>, vector<10000x128xf32>
    %add3A = arith.addf %get3A_1, %get3A_4 : vector<10000x128xf32>
    %get3A_5 = arith.constant 0 : index
    %get3A_6 = arith.constant 0 : index
    %get3A_7 = vector.load %arg0[%get3A_5, %get3A_6] : memref<10000x128xf32, #tpu.memory_space<vmem>>, vector<10000x128xf32>
    %get3A_8 = arith.constant 0 : index
    %get3A_9 = arith.constant 0 : index
    %get3A_10 = vector.load %arg3[%get3A_8, %get3A_9] : memref<128x32xf32, #tpu.memory_space<vmem>>, vector<128x32xf32>
    %dot_general3A = arith.constant dense<0.000000e+00> : vector<10000x32xf32>
    %dot_general3A_11 = tpu.matmul %get3A_7, %get3A_10, %dot_general3A {dimension_numbers = #tpu.dot_dimension_numbers<[1], [0], [0], [1], [0, 0, 1, 1], [], []>, transpose_lhs_hint = false} : vector<10000x128xf32>, vector<128x32xf32>, vector<10000x32xf32> -> vector<10000x32xf32>
    %get3A_12 = arith.constant 0 : index
    %get3A_13 = arith.constant 0 : index
    %get3A_14 = vector.load %arg4[%get3A_12, %get3A_13] : memref<128x32xf32, #tpu.memory_space<vmem>>, vector<128x32xf32>
    %dot_general3A_15 = arith.constant dense<0.000000e+00> : vector<10000x32xf32>
    %dot_general3A_16 = tpu.matmul %add3A, %get3A_14, %dot_general3A_15 {dimension_numbers = #tpu.dot_dimension_numbers<[1], [0], [0], [1], [0, 0, 1, 1], [], []>, transpose_lhs_hint = false} : vector<10000x128xf32>, vector<128x32xf32>, vector<10000x32xf32> -> vector<10000x32xf32>
    %add3A_17 = arith.addf %dot_general3A_11, %dot_general3A_16 : vector<10000x32xf32>
    %get3A_18 = arith.constant 0 : index
    %get3A_19 = arith.constant 0 : index
    %get3A_20 = vector.load %arg5[%get3A_18, %get3A_19] : memref<1x32xf32, #tpu.memory_space<vmem>>, vector<1x32xf32>
    %add3A_21 = vector.broadcast %get3A_20 : vector<1x32xf32> to vector<10000x32xf32>
    %add3A_22 = arith.addf %add3A_17, %add3A_21 : vector<10000x32xf32>
    %max3A = arith.constant 0.000000e+00 : f32
    %max3A_23 = vector.broadcast %max3A : f32 to vector<10000x32xf32>
    %max3A_24 = arith.maximumf %add3A_22, %max3A_23 : vector<10000x32xf32>
    %get3A_25 = arith.constant 0 : index
    %get3A_26 = arith.constant 0 : index
    %get3A_27 = vector.load %arg6[%get3A_25, %get3A_26] : memref<32x2xf32, #tpu.memory_space<vmem>>, vector<32x2xf32>
    %dot_general3A_28 = arith.constant dense<0.000000e+00> : vector<10000x2xf32>
    %dot_general3A_29 = tpu.matmul %max3A_24, %get3A_27, %dot_general3A_28 {dimension_numbers = #tpu.dot_dimension_numbers<[1], [0], [0], [1], [0, 0, 1, 1], [], []>, transpose_lhs_hint = false} : vector<10000x32xf32>, vector<32x2xf32>, vector<10000x2xf32> -> vector<10000x2xf32>
    %get3A_30 = arith.constant 0 : index
    %get3A_31 = arith.constant 0 : index
    %get3A_32 = vector.load %arg7[%get3A_30, %get3A_31] : memref<1x2xf32, #tpu.memory_space<vmem>>, vector<1x2xf32>
    %add3A_33 = vector.broadcast %get3A_32 : vector<1x2xf32> to vector<10000x2xf32>
    %add3A_34 = arith.addf %dot_general3A_29, %add3A_33 : vector<10000x2xf32>
    %swap3A = arith.constant 0 : index
    %swap3A_35 = arith.constant 0 : index
    %swap3A_36 = vector.load %arg8[%swap3A, %swap3A_35] : memref<10000x2xf32, #tpu.memory_space<vmem>>, vector<10000x2xf32>
    tpu.vector_store %arg8[%swap3A, %swap3A_35], %add3A_34 {strides = array<i32>} : memref<10000x2xf32, #tpu.memory_space<vmem>>, vector<10000x2xf32>,
    return
  }
}

</mosaic_0001>

<sc_bundles>
// kernel: kernel.6.cloned.1.call-start
scs
__scs_entry_jumppad:
0x0: {  	(pc) =	sbr.rel $0x88, $3  }
0x1: {  	(tag) =	ssettag $0x0;
	lr =	simm.s32 $0x1  }
0x2: {  	[smem:$0x3F8F] =	sst lr;
	_ =	strace $0xD0000000  }
0x3: {  	_ = 	snop  }
0x4: {  	_ = 	snop  }
0x5: {  	_ = 	snop  }
0x6: {  	_ = 	snop  }
0x7: {  	_ = 	snop  }
__scs_overlays_trampoline_lowered:
0x8: {  	[smem:$0x3F9E] =	sst s0  }
0x9: {  	[smem:$0x3F9F] =	sst s1  }
0xa: {  	[smem:$0x3FA0] =	sst s2  }
0xb: {  	[smem:$0x3FA1] =	sst s3  }
0xc: {  	[smem:$0x3FA2] =	sst s4  }
0xd: {  	[smem:$0x3FA3] =	sst s5  }
0xe: {  	[smem:$0x3FA4] =	sst s6  }
0xf: {  	[smem:$0x3FA5] =	sst s7  }
0x10: {  	[smem:$0x3FA6] =	sst s8  }
0x11: {  	[smem:$0x3FA7] =	sst s9;
	s0 =	simm.s32 @!p0 $0x0  }
0x12: {  	s1 =	sld [smem:$0x3F8D];
	s0 =	simm.s32 @p0 $0x1  }
0x13: {  	[smem:$0x3FA8] =	sst s0;
	s0 =	simm.s32 @!p1 $0x0  }
0x14: {  	s2 =	sld [smem:$0x3F8C];
	s0 =	simm.s32 @p1 $0x1  }
0x15: {  	[smem:$0x3FA9] =	sst s0;
	s0 =	simm.s32 @!p2 $0x0  }
0x16: {  	s3 =	sld [smem:$0x3FDB];
	s0 =	simm.s32 @p2 $0x1  }
0x17: {  	s4 =	simm.s32 $0x1BF5;
	[smem:$0x3FAB] =	sst s0  }
0x18: {  	s0 =	sld [smem:$0x3F8E];
	_ =	swait.ge [sflag:s4], $0x0  }
0x19: {  	s7 =	sld [smem:$0x3F8F]  }
0x1a: {  	s8 =	sadd.s32 $0xFFFFE003, lr  }
0x1b: {  	s9 =	sadd.s32 $0xFFFFFEF7, lr;
	s5 =	simm.s32 $0xFFFFFFFF;
	p2 =	slt.u32 s8, $0xFFFFF086  }
0x1c: {  	p1 =	slt.u32 s9, $0xF7A;
	s5 =	simm.s32 @!p2 $0x0  }
0x1d: {  	s5 =	simm.s32 @p1 $0x1;
	p0 =	seq.s32 s7, s2  }
0x1e: {  	s7 =	smul.u32 @!p0 $0xF7A, s2;
	p2 =	seq.s32 @!p0 s5, $0x0  }
0x1f: {  	s9 =	smul.u32 $0xF7A, s1;
	s8 =	simm.s32 @!p0 $0x1BF5;
	p2 =	por !p2, p0  }
0x20: {  	[sflag:s8] =	ssyncset.s32 @!p0 $0xFFFFF086;
	s6 =	sadd.s32 @!p0 s3, s7;
	s7 =	simm.s32 @!p0 $0x108  }
0x21: {  	s3 =	sadd.s32 s3, s9;
	s6 =	sadd.s32 @!p0 $0x88, s6;
	s7 =	simm.s32 @p2 $0x1082  }
0x22: {  	[simem:s7], [sflag:s8] =	dma.local @!p0 [hbm:s6], $0xF7A  }
0x23: {  	s9 =	sor.u32 $0xD0000000, s2;
	s6 =	simm.s32 $0x108;
	_ =	swait.ge @!p0 [sflag:s8], $0x0  }
0x24: {  	s3 =	sadd.s32 $0x88, s3;
	s6 =	simm.s32 @!p1 $0x1082;
	[sflag:s4] =	ssyncset.s32 $0xFFFFF086  }
0x25: {  	[simem:s6], [sflag:s4] =	dma.local [hbm:s3], $0xF7A  }
0x26: {  	[smem:$0x3F8F] =	sst s1;
	(tag) =	ssettag s2;
	_ =	strace s9  }
0x27: {  	s1 =	sld [smem:$0x3F9F]  }
0x28: {  	s2 =	sld [smem:$0x3FA0]  }
0x29: {  	s4 =	sld [smem:$0x3FA2]  }
0x2a: {  	p0 =	seq.s32 s5, $0x0;
	s5 =	sld [smem:$0x3FA3]  }
0x2b: {  	s6 =	sld [smem:$0x3FA4]  }
0x2c: {  	s7 =	sld [smem:$0x3FA5]  }
0x2d: {  	s3 =	simm.s32 $0x108;
	s8 =	sld [smem:$0x3FA6]  }
0x2e: {  	s3 =	simm.s32 @!p0 $0x1082;
	s9 =	sld [smem:$0x3FA7]  }
0x2f: {  	lr =	sadd.s32 s0, s3;
	s0 =	sld [smem:$0x3F9E]  }
0x30: {  	s3 =	sld [smem:$0x3FA1]  }
0x31: {  	[smem:$0x3FAA] =	sst s10  }
0x32: {  	s10 =	sld [smem:$0x3FA8];
	_ =	sdelay $0x3  }
0x33: {  	p0 =	seq.s32 s10, $0x1;
	s10 =	sld [smem:$0x3FAA];
	_ =	sdelay $0x3  }
0x34: {  	[smem:$0x3FAA] =	sst s10  }
0x35: {  	s10 =	sld [smem:$0x3FA9];
	_ =	sdelay $0x3  }
0x36: {  	p1 =	seq.s32 s10, $0x1;
	s10 =	sld [smem:$0x3FAA];
	_ =	sdelay $0x3  }
0x37: {  	[smem:$0x3FAA] =	sst s10  }
0x38: {  	s10 =	sld [smem:$0x3FAB]  }
0x39: {  	_ = 	snop;
	(pc) =	sbr.ind lr, $3  }
0x3a: {  	_ = 	snop  }
0x3b: {  	_ = 	snop  }
0x3c: {  	p2 =	seq.s32 s10, $0x1;
	s10 =	sld [smem:$0x3FAA]  }
0x3d: {  	_ =	shalt  }
0x3e: {  	_ =	shalt  }
0x3f: {  	_ =	shalt  }
0x40: {  	_ =	shalt  }
0x41: {  	_ =	shalt  }
0x42: {  	_ =	shalt  }
0x43: {  	_ =	shalt  }
0x44: {  	_ =	shalt  }
0x45: {  	_ =	shalt  }
0x46: {  	_ =	shalt  }
0x47: {  	_ =	shalt  }
0x48: {  	_ =	shalt  }
0x49: {  	_ =	shalt  }
0x4a: {  	_ =	shalt  }
0x4b: {  	_ =	shalt  }
0x4c: {  	_ =	shalt  }
0x4d: {  	_ =	shalt  }
0x4e: {  	_ =	shalt  }
0x4f: {  	_ =	shalt  }
0x50: {  	_ =	shalt  }
0x51: {  	_ =	shalt  }
0x52: {  	_ =	shalt  }
0x53: {  	_ =	shalt  }
0x54: {  	_ =	shalt  }
0x55: {  	_ =	shalt  }
0x56: {  	_ =	shalt  }
0x57: {  	_ =	shalt  }
0x58: {  	_ =	shalt  }
0x59: {  	_ =	shalt  }
0x5a: {  	_ =	shalt  }
0x5b: {  	_ =	shalt  }
0x5c: {  	_ =	shalt  }
0x5d: {  	_ =	shalt  }
0x5e: {  	_ =	shalt  }
0x5f: {  	_ =	shalt  }
0x60: {  	_ =	shalt  }
0x61: {  	_ =	shalt  }
0x62: {  	_ =	shalt  }
0x63: {  	_ =	shalt  }
0x64: {  	_ =	shalt  }
0x65: {  	_ =	shalt  }
0x66: {  	_ =	shalt  }
0x67: {  	_ =	shalt  }
0x68: {  	_ =	shalt  }
0x69: {  	_ =	shalt  }
0x6a: {  	_ =	shalt  }
0x6b: {  	_ =	shalt  }
0x6c: {  	_ =	shalt  }
0x6d: {  	_ =	shalt  }
0x6e: {  	_ =	shalt  }
0x6f: {  	_ =	shalt  }
0x70: {  	_ =	shalt  }
0x71: {  	_ =	shalt  }
0x72: {  	_ =	shalt  }
0x73: {  	_ =	shalt  }
0x74: {  	_ =	shalt  }
0x75: {  	_ =	shalt  }
0x76: {  	_ =	shalt  }
0x77: {  	_ =	shalt  }
0x78: {  	_ =	shalt  }
0x79: {  	_ =	shalt  }
0x7a: {  	_ =	shalt  }
0x7b: {  	_ =	shalt  }
0x7c: {  	_ =	shalt  }
0x7d: {  	_ =	shalt  }
0x7e: {  	_ =	shalt  }
0x7f: {  	_ =	shalt  }
0x80: {  	_ =	shalt  }
0x81: {  	_ =	shalt  }
0x82: {  	_ =	shalt  }
0x83: {  	_ =	shalt  }
0x84: {  	_ =	shalt  }
0x85: {  	_ =	shalt  }
0x86: {  	_ =	shalt  }
0x87: {  	_ =	shalt  }
.Lfunc_end0:
.L_simem_size_0:
called_computation_lowered:
.L_overlay_start_0:
0x88: {  	s2 =	sld [smem:$0x3FD9]  }
0x89: {  	s3 =	sld [smem:$0x3FFE];
	_ =	sdelay $0x1  }
0x8a: {  	s1 =	srdreg.scid  }
0x8b: {  	s0 =	sand.u32 $0x1, s1  }
0x8c: {  	s16 =	sshll.u32 s0, $0xA;
	s2 =	sadd.s32 s3, s2  }
0x8d: {  	s2 =	sadd.s32 s2, s16  }
0x8e: {  	[smem:$0x3FB6] =	sst s2  }
0x8f: {  	_ = 	snop  }
0x90: {  	(tm) =	ssettm $0x1  }
0x91: {  	s17 =	sld [smem:$0x3FFB];
	_ =	sdelay $0x3  }
0x92: {  	_ =	strace s17  }
0x93: {  	s2 =	sld [smem:$0x3FFC];
	_ =	sdelay $0x3  }
0x94: {  	_ =	strace s2  }
0x95: {  	s2 =	sld [smem:$0x3FFD];
	_ =	sdelay $0x3  }
0x96: {  	_ =	strace s2  }
0x97: {  	_ =	strace $0x8FFFFFFF  }
0x98: {  	s18 =	sld [smem:$0x3FDB];
	_ =	sdelay $0x1  }
0x99: {  	s19 =	simm.s32 $_scs_section_size  }
0x9a: {  	s4 =	simm.s32 $_size__tile_overlayer_lowered;
	s5 =	simm.s32 $_tile_overlayer_lowered  }
0x9b: {  	s22 =	simm.s32 $0x1BFF;
	s21 =	sshll.u32 s5, $0x1;
	s2 =	sadd.s32 s19, s18  }
0x9c: {  	s6 =	simm.s32 $0x0;
	s20 =	sshll.u32 s4, $0x1;
	s4 =	sadd.s32 s21, s2  }
0x9d: {  	[timem:s6], [sflag:s22] =	dma.local [hbm:s4], s20  }
0x9e: {  	_ =	swait.ge [sflag:s22], s20  }
0x9f: {  	s3 =	ssub.s32 $0x0, s20;
	[sflag:s22] =	ssyncset.done $0x0  }
0xa0: {  	[sflag:s22] =	ssyncadd.s32 s3;
	_ =	sdelay $0x1  }
0xa1: {  	s23 =	simm.s32 $0x1B8B  }
0xa2: {  	_ =	swait.ge [sflag:s23], $0x1  }
0xa3: {  	[sflag:s23] =	ssyncset.done $0x0  }
0xa4: {  	s25 =	simm.s32 $0x1B8E;
	s24 =	sld [smem:$0x3FFE];
	[sflag:s23] =	ssyncadd.s32 $0xFFFFFFFF  }
0xa5: {  	s26 =	simm.s32 $execute0_lowered;
	[smem:$0x3FD2] =	sst s25  }
0xa6: {  	s4 =	sshll.u32 s26, $0x1;
	_ =	strace $0x80000046;
	[dreg:$0x1] =	wrdreg $0xFFFFFFFF  }
0xa7: {  	s28 =	simm.s32 $_size_execute0_lowered;
	s2 =	sadd.s32 s2, s4;
	[dreg:$0x0] =	wrdreg $0x0  }
0xa8: {  	s4 =	sshll.u32 s28, $0x1;
	[dreg:$0x2] =	wrdreg s2  }
0xa9: {  	[dreg:$0x3] =	wrdreg s4  }
0xaa: {  	[dreg:$0x4] =	wrdreg $0xC0  }
0xab: {  	_ =	task [dreg:s6], $0x5FFFF  }
0xac: {  	[dreg:$0x1] =	wrdreg $0xFFFFFFFF  }
0xad: {  	[dreg:$0x0] =	wrdreg $0x60  }
0xae: {  	[dreg:$0x2] =	wrdreg s24  }
0xaf: {  	[dreg:$0x3] =	wrdreg $0x9  }
0xb0: {  	_ =	task.clear_ibuf [dreg:s6], $0x4FFFF;
	_ =	strace $0x90000046  }
0xb1: {  	s29 =	simm.s32 $0x9;
	_ =	strace $0x80000048  }
0xb2: {  	_ =	swait.ge [sflag:s29], $0x1  }
0xb3: {  	[sflag:s29] =	ssyncadd.s32 $0xFFFFFFFF  }
0xb4: {  	_ =	strace $0x90000048  }
0xb5: {  	_ =	sfence  }
0xb6: {  	s30 =	sld [smem:$0x0];
	_ =	sdelay $0x2  }
0xb7: {  	s31 =	sshll.u32 s1, $0xD;
	s1 =	sshrl.u32 s1, $0x2  }
0xb8: {  	s3 =	sand.u32 $0x4000, s31;
	s1 =	sadd.s32 s1, s30  }
0xb9: {  	s0 =	sor.u32 s3, s0;
	s1 =	sshll.u32 s1, $0x11  }
0xba: {  	s0 =	sor.u32 s1, s0  }
0xbb: {  	s0 =	sadd.s32 $0x8F2B, s0  }
0xbc: {  	[sflag:s0] =	ssyncadd.remote.s32 $0x1  }
0xbd: {  	_ =	sfence.sel $0xFFFF  }
0xbe: {  	[dreg:$0x0] =	wrdreg $0xFFFFFFFF;
	(pc) =	sbr.abs _section_cstart, $3  }
0xbf: {  	[dreg:$0x1] =	wrdreg $0xFFFFFFFF  }
0xc0: {  	_ =	task.clear_ibuf [dreg:s6], $0x2FFFF;
	_ =	strace $0x9FFFFFFF  }
0xc1: {  	(tm) =	ssettm $0x7FFFFFFF  }
tec
execute0_lowered:
.L_overlay_start_1:
0x0: {  	(tag) =	ssettag $0x1  }
0x1: {  	s0 =	srdreg.scid  }
0x2: {  	s4 =	stileid.u32;
	s1 =	rddreg [dreg:$0x0];
	s2 =	simm.s32 $0x0  }
0x3: {  	s11 =	simm.s32 $0x5;
	s13 =	simm.s32 $0x3C0;
	s14 =	simm.s32 $0x1E00  }
0x4: {  	s15 =	simm.s32 $0x2E00;
	s16 =	simm.s32 $0x2200;
	s17 =	simm.s32 $0x3200  }
0x5: {  	s18 =	simm.s32 $0x2600;
	s19 =	simm.s32 $0x3600;
	s20 =	simm.s32 $0x2A00  }
0x6: {  	s21 =	simm.s32 $0x3A00;
	s22 =	simm.s32 $0x1;
	s23 =	simm.s32 $0x2  }
0x7: {  	s0 =	sand.u32 $0x1, s0;
	s3 =	sshll.u32 s4, $0x1;
	s5 =	smul.u32 $0x1E00, s4  }
0x8: {  	s3 =	sor.u32 s0, s3;
	s30 =	ssub.s32 $0x2, s0;
	s0 =	smul.u32 $0xF00, s0  }
0x9: {  	s24 =	simm.s32 $0x3;
	[smem:$0x7FF] =	sst s2;
	s3 =	smul.u32 $0xF00, s3  }
0xa: {  	s25 =	simm.s32 $0x4;
	s26 =	simm.s32 $0x0;
	_ =	strace $0x80000047  }
0xb: {  	s31 =	sshrl.u32 s30, $0x1;
	s5 =	sadd.s32 s0, s5;
	s3 =	sshrl.u32 s3, $0x3  }
0xc: {  	s8 =	sadd.s32 $0x3C0, s5;
	s9 =	sadd.s32 $0x780, s5;
	s10 =	sadd.s32 $0xB40, s5  }
0xd: {  	s6 =	sadd.s32 s3, s1;
	s3 =	sadd.s32 $0xAA00, s1;
	s1 =	ssub.s32 s30, s31  }
0xe: {  	v0 =	vlaneseq.u32;
	s4 =	sadd.s32 $0x3200, s6;
	s6 =	sadd.s32 $0x6E00, s6;
	s7 =	smax.u32 s1, $0x1  }
.LBB2_1:
0xf: {  	[tilespmem:s2], [sflag:$0x5] =	stream.linear.gather [hbm4b:s4+s2], $0xF00, $0x38;
	[tilespmem:$0x3E00] =	vst v63  }
0x10: {  	_ =	swait.ge [sflag:s11], $0xF00  }
0x11: {  	[sflag:s11] =	ssyncset.done $0x0  }
0x12: {  	s0 =	simm.s32 $0xF00;
	[sflag:s11] =	ssyncadd.s32 $0xFFFFF100  }
0x13: {  	[tilespmem:s0], [sflag:$0x5] =	stream.linear.gather [hbm4b:s6+s2], $0xF00, $0x38;
	[tilespmem:$0x3E00] =	vst v63  }
0x14: {  	_ =	swait.ge [sflag:s11], $0xF00  }
0x15: {  	[sflag:s11] =	ssyncset.done $0x0  }
0x16: {  	s28 =	simm.s32 $0x0;
	[sflag:s11] =	ssyncadd.s32 $0xFFFFF100  }
0x17: {  	v1 =	vld [tilespmem:s28+$0x0]  }
0x18: {  	v2 =	vor.u32 s5, v0  }
0x19: {  	[tilespmem:s28+$0x2E00] =	vst v2;
	v2 =	vld [tilespmem:s28+$0xF00];
	_ =	sdelay $0x1  }
0x1a: {  	s29 =	simm.s32 $0x40;
	s30 =	sadd.s32 $0x10, s5  }
.LBB2_2:
0x1b: {  	s0 =	sshra.s32 s29, $0x2;
	v3 =	vor.u32 s30, v0;
	p0 =	sne.s32 s29, $0xEC0;
	s29 =	sadd.s32 $0x40, s29;
	v4 =	vmul.u32 $0x2710, v1  }
.Ltmp0:
0x1c: {  	v1 =	vld [tilespmem:s0+$0x0];
	[tilespmem:s0+$0x2E00] =	vst v3;
	(pc) =	sbr.rel @p0 .LBB2_2-.Ltmp0, $3  }
0x1d: {  	v3 =	vadd.s32 v2, v4  }
0x1e: {  	v2 =	vld [tilespmem:s0+$0xF00];
	[tilespmem:s28+$0x1E00] =	vst v3;
	s28 =	smov.u32 s0;
	_ =	sdelay $0x1  }
0x1f: {  	s30 =	sadd.s32 $0x10, s30  }
0x20: {  	v1 =	vmul.u32 $0x2710, v1;
	_ =	sdelay $0x1  }
0x21: {  	v1 =	vadd.s32 v2, v1  }
0x22: {  	[tilespmem:s28+$0x1E00] =	vst v1;
	s28 =	simm.s32 $0x0  }
0x23: {  	v1 =	vld [tilespmem:s28+$0x3C0]  }
0x24: {  	v2 =	vor.u32 s8, v0  }
0x25: {  	[tilespmem:s28+$0x3200] =	vst v2;
	v2 =	vld [tilespmem:s28+$0x12C0];
	_ =	sdelay $0x1  }
0x26: {  	s29 =	simm.s32 $0x0;
	s30 =	simm.s32 $0x40;
	s31 =	sadd.s32 $0x10, s8  }
.LBB2_4:
0x27: {  	s0 =	sshra.s32 s30, $0x2;
	v3 =	vor.u32 s31, v0;
	p0 =	sne.s32 s30, $0xEC0;
	s30 =	sadd.s32 $0x40, s30;
	v4 =	vmul.u32 $0x2710, v1  }
.Ltmp1:
0x28: {  	v1 =	vld [tilespmem:s0+$0x3C0];
	[tilespmem:s0+$0x3200] =	vst v3;
	(pc) =	sbr.rel @p0 .LBB2_4-.Ltmp1, $3  }
0x29: {  	v3 =	vadd.s32 v2, v4  }
0x2a: {  	v2 =	vld [tilespmem:s0+$0x12C0];
	[tilespmem:s28+$0x2200] =	vst v3;
	s28 =	smov.u32 s0;
	_ =	sdelay $0x1  }
0x2b: {  	s31 =	sadd.s32 $0x10, s31  }
0x2c: {  	v1 =	vmul.u32 $0x2710, v1  }
0x2d: {  	s0 =	simm.s32 $0x780  }
0x2e: {  	s1 =	sand.u32 $0x70, s29;
	s0 =	sand.u32 $0xF80, s0;
	v1 =	vadd.s32 v2, v1  }
0x2f: {  	s0 =	sor.u32 s1, s0;
	[tilespmem:s28+$0x2200] =	vst v1  }
0x30: {  	v1 =	vld [tilespmem:s0+$0x0];
	_ =	sdelay $0x1  }
0x31: {  	v2 =	vld [tilespmem:s0+$0xF00];
	_ =	sdelay $0x2  }
0x32: {  	v1 =	vmul.u32 $0x2710, v1  }
0x33: {  	s29 =	simm.s32 $0x2600;
	s30 =	simm.s32 $0x10  }
0x34: {  	s12 =	sadd.s32 $0x0, s9;
	s31 =	simm.s32 $0x20;
	s1 =	simm.s32 $0x790;
	v1 =	vadd.s32 v2, v1  }
0x35: {  	s28 =	simm.s32 $0x3600;
	s1 =	sand.u32 $0xF80, s1;
	s0 =	sand.u32 $0x70, s30;
	[tilespmem:s29+$0x0] =	vst v1;
	v1 =	vor.u32 s12, v0  }
.LBB2_6:
0x36: {  	p0 =	sne.s32 s31, $0x3B0;
	s0 =	sor.u32 s0, s1;
	[tilespmem:s28+$0x0] =	vst v1;
	s1 =	smov.u32 s30  }
0x37: {  	s30 =	smov.u32 s31;
	v1 =	vld [tilespmem:s0+$0x0];
	_ =	sdelay $0x1  }
0x38: {  	v2 =	vld [tilespmem:s0+$0xF00];
	_ =	sdelay $0x1  }
.Ltmp2:
0x39: {  	(pc) =	sbr.rel @p0 .LBB2_6-.Ltmp2, $4  }
0x3a: {  	v1 =	vmul.u32 $0x2710, v1  }
0x3b: {  	s29 =	sadd.s32 $0x10, s29  }
0x3c: {  	s28 =	sadd.s32 $0x10, s28;
	s12 =	sadd.s32 s1, s9;
	s0 =	sadd.s32 $0x780, s31;
	v1 =	vadd.s32 v2, v1  }
0x3d: {  	s31 =	sadd.s32 $0x10, s31;
	s1 =	sand.u32 $0xF80, s0;
	s0 =	sand.u32 $0x70, s30;
	[tilespmem:s29+$0x0] =	vst v1;
	v1 =	vor.u32 s12, v0  }
0x3e: {  	s0 =	sor.u32 s0, s1;
	[tilespmem:s28+$0x0] =	vst v1  }
0x3f: {  	v1 =	vld [tilespmem:s0+$0x0];
	_ =	sdelay $0x1  }
0x40: {  	v2 =	vld [tilespmem:s0+$0xF00];
	_ =	sdelay $0x2  }
0x41: {  	v1 =	vmul.u32 $0x2710, v1;
	_ =	sdelay $0x1  }
0x42: {  	s1 =	sadd.s32 $0x10, s29;
	s31 =	sadd.s32 s30, s9;
	v1 =	vadd.s32 v2, v1  }
0x43: {  	s12 =	sadd.s32 $0x10, s28;
	[tilespmem:s1+$0x0] =	vst v1;
	v1 =	vor.u32 s31, v0  }
0x44: {  	s28 =	simm.s32 $0x0;
	[tilespmem:s12+$0x0] =	vst v1  }
0x45: {  	v1 =	vld [tilespmem:s28+$0xB40]  }
0x46: {  	v2 =	vor.u32 s10, v0  }
0x47: {  	[tilespmem:s28+$0x3A00] =	vst v2;
	v2 =	vld [tilespmem:s28+$0x1A40];
	_ =	sdelay $0x1  }
0x48: {  	s29 =	simm.s32 $0x40;
	s30 =	sadd.s32 $0x10, s10  }
.LBB2_8:
0x49: {  	s0 =	sshra.s32 s29, $0x2;
	v3 =	vor.u32 s30, v0;
	p0 =	sne.s32 s29, $0xEC0;
	s29 =	sadd.s32 $0x40, s29;
	v4 =	vmul.u32 $0x2710, v1  }
.Ltmp3:
0x4a: {  	v1 =	vld [tilespmem:s0+$0xB40];
	[tilespmem:s0+$0x3A00] =	vst v3;
	(pc) =	sbr.rel @p0 .LBB2_8-.Ltmp3, $3  }
0x4b: {  	v3 =	vadd.s32 v2, v4  }
0x4c: {  	v2 =	vld [tilespmem:s0+$0x1A40];
	[tilespmem:s28+$0x2A00] =	vst v3;
	s28 =	smov.u32 s0;
	_ =	sdelay $0x1  }
0x4d: {  	s30 =	sadd.s32 $0x10, s30  }
0x4e: {  	v1 =	vmul.u32 $0x2710, v1;
	_ =	sdelay $0x1  }
0x4f: {  	v1 =	vadd.s32 v2, v1  }
0x50: {  	[tilespmem:s28+$0x2A00] =	vst v1  }
0x51: {  	[hbm4b:s3+s13] =	stream.indirect.scatter [tilespmem:s15], [sflag:$0x1], $0x1, s14, s13, $0xb8;
	[tilespmem:$0x3E00] =	vst v63  }
0x52: {  	_ = 	snop  }
0x53: {  	[hbm4b:s3+s13] =	stream.indirect.scatter [tilespmem:s17], [sflag:$0x2], $0x1, s16, s13, $0xb8;
	[tilespmem:$0x3E00] =	vst v63  }
0x54: {  	_ = 	snop  }
0x55: {  	[hbm4b:s3+s13] =	stream.indirect.scatter [tilespmem:s19], [sflag:$0x3], $0x1, s18, s13, $0xb8;
	[tilespmem:$0x3E00] =	vst v63  }
0x56: {  	_ = 	snop  }
0x57: {  	[hbm4b:s3+s13] =	stream.indirect.scatter [tilespmem:s21], [sflag:$0x4], $0x1, s20, s13, $0xb8;
	[tilespmem:$0x3E00] =	vst v63  }
0x58: {  	_ =	swait.ge [sflag:s22], $0x3C0  }
0x59: {  	[sflag:s22] =	ssyncset.done $0x0  }
0x5a: {  	[sflag:s22] =	ssyncadd.s32 $0xFFFFFC40  }
0x5b: {  	_ =	swait.ge [sflag:s23], $0x3C0  }
0x5c: {  	[sflag:s23] =	ssyncset.done $0x0  }
0x5d: {  	s26 =	sadd.s32 $0x1, s26;
	[sflag:s23] =	ssyncadd.s32 $0xFFFFFC40  }
0x5e: {  	p0 =	sne.s32 s26, s7;
	_ =	swait.ge [sflag:s24], $0x3C0  }
.Ltmp4:
0x5f: {  	[sflag:s24] =	ssyncset.done $0x0;
	(pc) =	sbr.rel @p0 .LBB2_1-.Ltmp4, $4  }
0x60: {  	[sflag:s24] =	ssyncadd.s32 $0xFFFFFC40  }
0x61: {  	_ =	swait.ge [sflag:s25], $0x3C0  }
0x62: {  	[sflag:s25] =	ssyncset.done $0x0  }
0x63: {  	[sflag:s25] =	ssyncadd.s32 $0xFFFFFC40  }
0x64: {  	_ =	sfence.sel $0x180000  }
0x65: {  	[bflag:$0x0] =	sbarrier.arrive $0xFFFF  }
0x66: {  	_ =	strace $0x90000047  }
0x67: {  	s0 =	stileid.u32;
	[bflag:$0x2] =	sbarrier.arrive $0xFFFF  }
0x68: {  	p0 =	sne.s32 s0, $0x0;
	s0 =	rddreg [dreg:$0x1]  }
0x69: {  	s0 =	sadd.s32 @!p0 $0x100000, s0  }
0x6a: {  	[sflag:s0] =	ssyncadd.tile.s32 @!p0 $0x1;
	_ =	shalt  }
.Lfunc_end2:
_tile_overlayer_lowered:
.L_overlay_start_2:
0x6b: {  	(tag) =	ssettag $0x2  }
0x6c: {  	s0 =	rddreg [dreg:$0x0];
	s2 =	stileid.u32  }
0x6d: {  	s1 =	rddreg [dreg:$0x1];
	p0 =	sne.s32 s2, $0x0  }
0x6e: {  	s3 =	rddreg [dreg:$0x2];
	[bflag:$0x3] =	sbarrier.arrive $0xFFFF;
	s2 =	simm.s32 @!p0 $0x1C05  }
0x6f: {  	[timem:s3], [sflag:s2] =	dma.local @!p0 [hbm:s0], s1  }
0x70: {  	s0 =	simm.s32 @!p0 $0x5  }
0x71: {  	_ =	swait.ge @!p0 [sflag:s0], s1  }
0x72: {  	s1 =	ssub.s32 @!p0 $0x0, s1;
	[sflag:s0] =	ssyncset.done @!p0 $0x0  }
0x73: {  	[sflag:s0] =	ssyncadd.s32 @!p0 s1  }
0x74: {  	[bflag:$0x3] =	sbarrier.arrive $0xFFFF  }
0x75: {  	_ =	shalt  }

// kernel: kernel.9.cloned.1.call-start
scs
__scs_entry_jumppad:
0x0: {  	(pc) =	sbr.rel $0x88, $3  }
0x1: {  	(tag) =	ssettag $0x0;
	lr =	simm.s32 $0x1  }
0x2: {  	[smem:$0x3F8F] =	sst lr;
	_ =	strace $0xD0000000  }
0x3: {  	_ = 	snop  }
0x4: {  	_ = 	snop  }
0x5: {  	_ = 	snop  }
0x6: {  	_ = 	snop  }
0x7: {  	_ = 	snop  }
__scs_overlays_trampoline_lowered:
0x8: {  	[smem:$0x3F9E] =	sst s0  }
0x9: {  	[smem:$0x3F9F] =	sst s1  }
0xa: {  	[smem:$0x3FA0] =	sst s2  }
0xb: {  	[smem:$0x3FA1] =	sst s3  }
0xc: {  	[smem:$0x3FA2] =	sst s4  }
0xd: {  	[smem:$0x3FA3] =	sst s5  }
0xe: {  	[smem:$0x3FA4] =	sst s6  }
0xf: {  	[smem:$0x3FA5] =	sst s7  }
0x10: {  	[smem:$0x3FA6] =	sst s8  }
0x11: {  	[smem:$0x3FA7] =	sst s9;
	s0 =	simm.s32 @!p0 $0x0  }
0x12: {  	s1 =	sld [smem:$0x3F8D];
	s0 =	simm.s32 @p0 $0x1  }
0x13: {  	[smem:$0x3FA8] =	sst s0;
	s0 =	simm.s32 @!p1 $0x0  }
0x14: {  	s2 =	sld [smem:$0x3F8C];
	s0 =	simm.s32 @p1 $0x1  }
0x15: {  	[smem:$0x3FA9] =	sst s0;
	s0 =	simm.s32 @!p2 $0x0  }
0x16: {  	s3 =	sld [smem:$0x3FDB];
	s0 =	simm.s32 @p2 $0x1  }
0x17: {  	s4 =	simm.s32 $0x1BF5;
	[smem:$0x3FAB] =	sst s0  }
0x18: {  	s0 =	sld [smem:$0x3F8E];
	_ =	swait.ge [sflag:s4], $0x0  }
0x19: {  	s7 =	sld [smem:$0x3F8F]  }
0x1a: {  	s8 =	sadd.s32 $0xFFFFE003, lr  }
0x1b: {  	s9 =	sadd.s32 $0xFFFFFEF7, lr;
	s5 =	simm.s32 $0xFFFFFFFF;
	p2 =	slt.u32 s8, $0xFFFFF086  }
0x1c: {  	p1 =	slt.u32 s9, $0xF7A;
	s5 =	simm.s32 @!p2 $0x0  }
0x1d: {  	s5 =	simm.s32 @p1 $0x1;
	p0 =	seq.s32 s7, s2  }
0x1e: {  	s7 =	smul.u32 @!p0 $0xF7A, s2;
	p2 =	seq.s32 @!p0 s5, $0x0  }
0x1f: {  	s9 =	smul.u32 $0xF7A, s1;
	s8 =	simm.s32 @!p0 $0x1BF5;
	p2 =	por !p2, p0  }
0x20: {  	[sflag:s8] =	ssyncset.s32 @!p0 $0xFFFFF086;
	s6 =	sadd.s32 @!p0 s3, s7;
	s7 =	simm.s32 @!p0 $0x108  }
0x21: {  	s3 =	sadd.s32 s3, s9;
	s6 =	sadd.s32 @!p0 $0x88, s6;
	s7 =	simm.s32 @p2 $0x1082  }
0x22: {  	[simem:s7], [sflag:s8] =	dma.local @!p0 [hbm:s6], $0xF7A  }
0x23: {  	s9 =	sor.u32 $0xD0000000, s2;
	s6 =	simm.s32 $0x108;
	_ =	swait.ge @!p0 [sflag:s8], $0x0  }
0x24: {  	s3 =	sadd.s32 $0x88, s3;
	s6 =	simm.s32 @!p1 $0x1082;
	[sflag:s4] =	ssyncset.s32 $0xFFFFF086  }
0x25: {  	[simem:s6], [sflag:s4] =	dma.local [hbm:s3], $0xF7A  }
0x26: {  	[smem:$0x3F8F] =	sst s1;
	(tag) =	ssettag s2;
	_ =	strace s9  }
0x27: {  	s1 =	sld [smem:$0x3F9F]  }
0x28: {  	s2 =	sld [smem:$0x3FA0]  }
0x29: {  	s4 =	sld [smem:$0x3FA2]  }
0x2a: {  	p0 =	seq.s32 s5, $0x0;
	s5 =	sld [smem:$0x3FA3]  }
0x2b: {  	s6 =	sld [smem:$0x3FA4]  }
0x2c: {  	s7 =	sld [smem:$0x3FA5]  }
0x2d: {  	s3 =	simm.s32 $0x108;
	s8 =	sld [smem:$0x3FA6]  }
0x2e: {  	s3 =	simm.s32 @!p0 $0x1082;
	s9 =	sld [smem:$0x3FA7]  }
0x2f: {  	lr =	sadd.s32 s0, s3;
	s0 =	sld [smem:$0x3F9E]  }
0x30: {  	s3 =	sld [smem:$0x3FA1]  }
0x31: {  	[smem:$0x3FAA] =	sst s10  }
0x32: {  	s10 =	sld [smem:$0x3FA8];
	_ =	sdelay $0x3  }
0x33: {  	p0 =	seq.s32 s10, $0x1;
	s10 =	sld [smem:$0x3FAA];
	_ =	sdelay $0x3  }
0x34: {  	[smem:$0x3FAA] =	sst s10  }
0x35: {  	s10 =	sld [smem:$0x3FA9];
	_ =	sdelay $0x3  }
0x36: {  	p1 =	seq.s32 s10, $0x1;
	s10 =	sld [smem:$0x3FAA];
	_ =	sdelay $0x3  }
0x37: {  	[smem:$0x3FAA] =	sst s10  }
0x38: {  	s10 =	sld [smem:$0x3FAB]  }
0x39: {  	_ = 	snop;
	(pc) =	sbr.ind lr, $3  }
0x3a: {  	_ = 	snop  }
0x3b: {  	_ = 	snop  }
0x3c: {  	p2 =	seq.s32 s10, $0x1;
	s10 =	sld [smem:$0x3FAA]  }
0x3d: {  	_ =	shalt  }
0x3e: {  	_ =	shalt  }
0x3f: {  	_ =	shalt  }
0x40: {  	_ =	shalt  }
0x41: {  	_ =	shalt  }
0x42: {  	_ =	shalt  }
0x43: {  	_ =	shalt  }
0x44: {  	_ =	shalt  }
0x45: {  	_ =	shalt  }
0x46: {  	_ =	shalt  }
0x47: {  	_ =	shalt  }
0x48: {  	_ =	shalt  }
0x49: {  	_ =	shalt  }
0x4a: {  	_ =	shalt  }
0x4b: {  	_ =	shalt  }
0x4c: {  	_ =	shalt  }
0x4d: {  	_ =	shalt  }
0x4e: {  	_ =	shalt  }
0x4f: {  	_ =	shalt  }
0x50: {  	_ =	shalt  }
0x51: {  	_ =	shalt  }
0x52: {  	_ =	shalt  }
0x53: {  	_ =	shalt  }
0x54: {  	_ =	shalt  }
0x55: {  	_ =	shalt  }
0x56: {  	_ =	shalt  }
0x57: {  	_ =	shalt  }
0x58: {  	_ =	shalt  }
0x59: {  	_ =	shalt  }
0x5a: {  	_ =	shalt  }
0x5b: {  	_ =	shalt  }
0x5c: {  	_ =	shalt  }
0x5d: {  	_ =	shalt  }
0x5e: {  	_ =	shalt  }
0x5f: {  	_ =	shalt  }
0x60: {  	_ =	shalt  }
0x61: {  	_ =	shalt  }
0x62: {  	_ =	shalt  }
0x63: {  	_ =	shalt  }
0x64: {  	_ =	shalt  }
0x65: {  	_ =	shalt  }
0x66: {  	_ =	shalt  }
0x67: {  	_ =	shalt  }
0x68: {  	_ =	shalt  }
0x69: {  	_ =	shalt  }
0x6a: {  	_ =	shalt  }
0x6b: {  	_ =	shalt  }
0x6c: {  	_ =	shalt  }
0x6d: {  	_ =	shalt  }
0x6e: {  	_ =	shalt  }
0x6f: {  	_ =	shalt  }
0x70: {  	_ =	shalt  }
0x71: {  	_ =	shalt  }
0x72: {  	_ =	shalt  }
0x73: {  	_ =	shalt  }
0x74: {  	_ =	shalt  }
0x75: {  	_ =	shalt  }
0x76: {  	_ =	shalt  }
0x77: {  	_ =	shalt  }
0x78: {  	_ =	shalt  }
0x79: {  	_ =	shalt  }
0x7a: {  	_ =	shalt  }
0x7b: {  	_ =	shalt  }
0x7c: {  	_ =	shalt  }
0x7d: {  	_ =	shalt  }
0x7e: {  	_ =	shalt  }
0x7f: {  	_ =	shalt  }
0x80: {  	_ =	shalt  }
0x81: {  	_ =	shalt  }
0x82: {  	_ =	shalt  }
0x83: {  	_ =	shalt  }
0x84: {  	_ =	shalt  }
0x85: {  	_ =	shalt  }
0x86: {  	_ =	shalt  }
0x87: {  	_ =	shalt  }
.Lfunc_end0:
.L_simem_size_0:
called_computation.1_lowered:
.L_overlay_start_0:
0x88: {  	s2 =	sld [smem:$0x3FD9]  }
0x89: {  	s3 =	sld [smem:$0x3FFE];
	_ =	sdelay $0x1  }
0x8a: {  	s1 =	srdreg.scid  }
0x8b: {  	s0 =	sand.u32 $0x1, s1  }
0x8c: {  	s16 =	sshll.u32 s0, $0xA;
	s2 =	sadd.s32 s3, s2  }
0x8d: {  	s2 =	sadd.s32 s2, s16  }
0x8e: {  	[smem:$0x3FB6] =	sst s2  }
0x8f: {  	_ = 	snop  }
0x90: {  	(tm) =	ssettm $0x1  }
0x91: {  	s17 =	sld [smem:$0x3FFB];
	_ =	sdelay $0x3  }
0x92: {  	_ =	strace s17  }
0x93: {  	s2 =	sld [smem:$0x3FFC];
	_ =	sdelay $0x3  }
0x94: {  	_ =	strace s2  }
0x95: {  	s2 =	sld [smem:$0x3FFD];
	_ =	sdelay $0x3  }
0x96: {  	_ =	strace s2  }
0x97: {  	_ =	strace $0x8FFFFFFF  }
0x98: {  	s18 =	sld [smem:$0x3FDB];
	_ =	sdelay $0x1  }
0x99: {  	s19 =	simm.s32 $_scs_section_size  }
0x9a: {  	s4 =	simm.s32 $_size__tile_overlayer_lowered;
	s5 =	simm.s32 $_tile_overlayer_lowered  }
0x9b: {  	s22 =	simm.s32 $0x1BFF;
	s21 =	sshll.u32 s5, $0x1;
	s2 =	sadd.s32 s19, s18  }
0x9c: {  	s6 =	simm.s32 $0x0;
	s20 =	sshll.u32 s4, $0x1;
	s4 =	sadd.s32 s21, s2  }
0x9d: {  	[timem:s6], [sflag:s22] =	dma.local [hbm:s4], s20  }
0x9e: {  	_ =	swait.ge [sflag:s22], s20  }
0x9f: {  	s3 =	ssub.s32 $0x0, s20;
	[sflag:s22] =	ssyncset.done $0x0  }
0xa0: {  	[sflag:s22] =	ssyncadd.s32 s3;
	_ =	sdelay $0x1  }
0xa1: {  	s23 =	simm.s32 $0x1B8B  }
0xa2: {  	_ =	swait.ge [sflag:s23], $0x1  }
0xa3: {  	[sflag:s23] =	ssyncset.done $0x0  }
0xa4: {  	s25 =	simm.s32 $0x1B8E;
	s24 =	sld [smem:$0x3FFE];
	[sflag:s23] =	ssyncadd.s32 $0xFFFFFFFF  }
0xa5: {  	s26 =	simm.s32 $execute0_lowered;
	[smem:$0x3FD2] =	sst s25  }
0xa6: {  	s4 =	sshll.u32 s26, $0x1;
	_ =	strace $0x80000049;
	[dreg:$0x1] =	wrdreg $0xFFFFFFFF  }
0xa7: {  	s28 =	simm.s32 $_size_execute0_lowered;
	s2 =	sadd.s32 s2, s4;
	[dreg:$0x0] =	wrdreg $0x0  }
0xa8: {  	s4 =	sshll.u32 s28, $0x1;
	[dreg:$0x2] =	wrdreg s2  }
0xa9: {  	[dreg:$0x3] =	wrdreg s4  }
0xaa: {  	[dreg:$0x4] =	wrdreg $0xC0  }
0xab: {  	_ =	task [dreg:s6], $0x5FFFF  }
0xac: {  	[dreg:$0x1] =	wrdreg $0xFFFFFFFF  }
0xad: {  	[dreg:$0x0] =	wrdreg $0x60  }
0xae: {  	[dreg:$0x2] =	wrdreg s24  }
0xaf: {  	[dreg:$0x3] =	wrdreg $0xBD000  }
0xb0: {  	[dreg:$0x4] =	wrdreg $0x9  }
0xb1: {  	_ =	task.clear_ibuf [dreg:s6], $0x5FFFF;
	_ =	strace $0x90000049  }
0xb2: {  	s29 =	simm.s32 $0x9;
	_ =	strace $0x8000004B  }
0xb3: {  	_ =	swait.ge [sflag:s29], $0x1  }
0xb4: {  	[sflag:s29] =	ssyncadd.s32 $0xFFFFFFFF  }
0xb5: {  	_ =	strace $0x9000004B  }
0xb6: {  	_ =	sfence  }
0xb7: {  	s30 =	sld [smem:$0x0];
	_ =	sdelay $0x2  }
0xb8: {  	s31 =	sshll.u32 s1, $0xD;
	s1 =	sshrl.u32 s1, $0x2  }
0xb9: {  	s3 =	sand.u32 $0x4000, s31;
	s1 =	sadd.s32 s1, s30  }
0xba: {  	s0 =	sor.u32 s3, s0;
	s1 =	sshll.u32 s1, $0x11  }
0xbb: {  	s0 =	sor.u32 s1, s0  }
0xbc: {  	s0 =	sadd.s32 $0x8F2B, s0  }
0xbd: {  	[sflag:s0] =	ssyncadd.remote.s32 $0x1  }
0xbe: {  	_ =	sfence.sel $0xFFFF  }
0xbf: {  	[dreg:$0x0] =	wrdreg $0xFFFFFFFF;
	(pc) =	sbr.abs _section_cstart, $3  }
0xc0: {  	[dreg:$0x1] =	wrdreg $0xFFFFFFFF  }
0xc1: {  	_ =	task.clear_ibuf [dreg:s6], $0x2FFFF;
	_ =	strace $0x9FFFFFFF  }
0xc2: {  	(tm) =	ssettm $0x7FFFFFFF  }
0xc3: {  	_ =	shalt  }
tec
execute0_lowered:
.L_overlay_start_1:
0x0: {  	(tag) =	ssettag $0x1  }
0x1: {  	s0 =	srdreg.scid;
	s1 =	rddreg [dreg:$0x0]  }
0x2: {  	s14 =	stileid.u32;
	s2 =	rddreg [dreg:$0x1];
	s15 =	simm.s32 $0xF00  }
0x3: {  	s16 =	simm.s32 $0x3C0;
	s22 =	simm.s32 $0xB40;
	s23 =	simm.s32 $0x1  }
0x4: {  	s28 =	simm.s32 $0x7D00;
	s29 =	simm.s32 $0x1D80;
	s6 =	smul.u32 $0x2780, s14  }
0x5: {  	s30 =	simm.s32 $0x3B00;
	s0 =	sand.u32 $0x1, s0;
	s10 =	smul.u32 $0x4F000, s14  }
0x6: {  	s3 =	sshll.u32 s14, $0x1;
	s26 =	sshll.u32 s14, $0x6;
	s14 =	smul.u32 $0x1E00, s14  }
0x7: {  	s31 =	simm.s32 $0x3B80;
	s4 =	sor.u32 s0, s3;
	s7 =	smul.u32 $0x27800, s0  }
0x8: {  	s3 =	simm.s32 $0x0;
	s8 =	ssub.s32 $0x2, s0;
	s0 =	smul.u32 $0xF00, s0  }
0x9: {  	s5 =	sadd.s32 $0xBF6800, s1;
	s4 =	smul.u32 $0xF00, s4;
	[smem:$0x7FF] =	sst s3  }
0xa: {  	s11 =	sadd.s32 s6, s1;
	s24 =	sshrl.u32 s8, $0x1;
	s25 =	sshrl.u32 s10, $0x2  }
0xb: {  	_ =	strace $0x8000004A;
	s6 =	sadd.s32 s6, s7;
	s12 =	ssub.s32 s8, s24  }
0xc: {  	s13 =	sadd.s32 s25, s2;
	s7 =	sor.u32 $0x1C03, s26;
	s24 =	simm.s32 $0x2  }
0xd: {  	s25 =	simm.s32 $0x80;
	s26 =	simm.s32 $0x3D00;
	s4 =	sshrl.u32 s4, $0x3  }
0xe: {  	s13 =	sshrl.u32 s13, $0x3;
	s9 =	sadd.s32 s4, s1;
	s4 =	sadd.s32 $0xAA00, s1  }
0xf: {  	s1 =	sadd.s32 s6, s1;
	s6 =	sadd.s32 $0xC1DA00, s11;
	s11 =	smax.u32 s12, $0x1  }
0x10: {  	s12 =	sadd.s32 s0, s14;
	s14 =	simm.s32 $0x3;
	s8 =	sadd.s32 $0x3200, s9  }
0x11: {  	v0 =	vlaneseq.u32;
	s9 =	sadd.s32 $0x6E00, s9;
	s10 =	sadd.s32 $0xC45200, s1;
	s1 =	simm.s32 $0x0  }
.LBB2_1:
0x12: {  	[spmem:s13], [sflag:s7] =	dma.local [hbm:s6], $0x2780  }
0x13: {  	_ =	swait.ge [sflag:s14], $0x2780  }
0x14: {  	[sflag:s14] =	ssyncset.done $0x0  }
0x15: {  	[sflag:s14] =	ssyncadd.s32 $0xFFFFD880  }
0x16: {  	[bflag:$0x0] =	sbarrier.arrive $0xFFFF  }
0x17: {  	[tilespmem:s3], [sflag:$0x3] =	stream.linear.gather [hbm4b:s8+s3], $0xF00, $0x38;
	[tilespmem:$0x1F900] =	vst v63  }
0x18: {  	_ =	swait.ge [sflag:s14], $0xF00  }
0x19: {  	[sflag:s14] =	ssyncset.done $0x0  }
0x1a: {  	[sflag:s14] =	ssyncadd.s32 $0xFFFFF100  }
0x1b: {  	[tilespmem:s15], [sflag:$0x3] =	stream.linear.gather [hbm4b:s9+s3], $0xF00, $0x38;
	[tilespmem:$0x1F900] =	vst v63  }
0x1c: {  	_ =	swait.ge [sflag:s14], $0xF00  }
0x1d: {  	[sflag:s14] =	ssyncset.done $0x0  }
0x1e: {  	s0 =	simm.s32 $0x0;
	[sflag:s14] =	ssyncadd.s32 $0xFFFFF100  }
0x1f: {  	v1 =	vld [tilespmem:s0+$0x0];
	_ =	sdelay $0x1  }
0x20: {  	v2 =	vld [tilespmem:s0+$0xF00];
	_ =	sdelay $0x2  }
0x21: {  	v3 =	vmul.u32 $0x2710, v1  }
0x22: {  	s17 =	sand.u32 $0x3E00, s3  }
0x23: {  	s18 =	sand.u32 $0x70, s3;
	s17 =	sshrl.u32 s17, $0x2;
	v2 =	vadd.s32 v2, v3  }
0x24: {  	s17 =	sor.u32 s18, s17;
	[tilespmem:s0+$0x1E00] =	vst v2  }
0x25: {  	s0 =	simm.s32 $0x10;
	[tilespmem:s17+$0x2D00] =	vst v1  }
0x26: {  	s19 =	simm.s32 $0x40;
	s18 =	simm.s32 $0x80;
	s17 =	simm.s32 $0x0;
	v1 =	vld [tilespmem:s0+$0x0]  }
.LBB2_2:
0x27: {  	p0 =	sne.s32 s18, $0x3BC0  }
0x28: {  	v2 =	vld [tilespmem:s0+$0xF00];
	_ =	sdelay $0x2  }
0x29: {  	v3 =	vmul.u32 $0x2710, v1  }
.Ltmp0:
0x2a: {  	s19 =	sand.u32 $0x3E00, s19;
	s17 =	sadd.s32 $0x10, s17;
	(pc) =	sbr.rel @p0 .LBB2_2-.Ltmp0, $4  }
0x2b: {  	s20 =	sand.u32 $0x70, s17;
	s21 =	sshrl.u32 s19, $0x2;
	s19 =	smov.u32 s18;
	v2 =	vadd.s32 v2, v3  }
0x2c: {  	s20 =	sor.u32 s20, s21;
	[tilespmem:s0+$0x1E00] =	vst v2  }
0x2d: {  	s0 =	sshra.s32 s18, $0x2;
	[tilespmem:s20+$0x2D00] =	vst v1  }
0x2e: {  	s18 =	sadd.s32 $0x40, s18;
	v1 =	vld [tilespmem:s0+$0x0]  }
0x2f: {  	_ = 	snop  }
0x30: {  	v2 =	vld [tilespmem:s0+$0xF00];
	_ =	sdelay $0x2  }
0x31: {  	v3 =	vmul.u32 $0x2710, v1  }
0x32: {  	s18 =	sand.u32 $0x3E00, s19;
	s17 =	sadd.s32 $0x10, s17  }
0x33: {  	s17 =	sand.u32 $0x70, s17;
	s18 =	sshrl.u32 s18, $0x2;
	v2 =	vadd.s32 v2, v3  }
0x34: {  	s20 =	sor.u32 s17, s18;
	[tilespmem:s0+$0x1E00] =	vst v2  }
0x35: {  	s21 =	simm.s32 $0x1E00;
	s0 =	simm.s32 $0x0;
	[tilespmem:s20+$0x2D00] =	vst v1  }
0x36: {  	[tilespmem:s0], [sflag:$0x1] =	stream.indirect.gather [hbm4b:s4+s16], $0x1, s21, s16, $0xb8;
	[tilespmem:$0x1F900] =	vst v63  }
0x37: {  	s18 =	simm.s32 $0x21C0  }
0x38: {  	[tilespmem:s16], [sflag:$0x2] =	stream.indirect.gather [hbm4b:s4+s16], $0x1, s18, s16, $0xb8;
	[tilespmem:$0x1F900] =	vst v63  }
0x39: {  	s19 =	simm.s32 $0x2580;
	s20 =	simm.s32 $0x780  }
0x3a: {  	[tilespmem:s20], [sflag:$0x1] =	stream.indirect.gather [hbm4b:s4+s16], $0x1, s19, s16, $0xb8;
	[tilespmem:$0x1F900] =	vst v63  }
0x3b: {  	s21 =	simm.s32 $0x2940  }
0x3c: {  	[tilespmem:s22], [sflag:$0x2] =	stream.indirect.gather [hbm4b:s4+s16], $0x1, s21, s16, $0xb8;
	[tilespmem:$0x1F900] =	vst v63  }
0x3d: {  	_ =	swait.ge [sflag:s23], $0x3C0  }
0x3e: {  	[sflag:s23] =	ssyncset.done $0x0  }
0x3f: {  	[sflag:s23] =	ssyncadd.s32 $0xFFFFFC40  }
0x40: {  	_ =	swait.ge [sflag:s24], $0x3C0  }
0x41: {  	[sflag:s24] =	ssyncset.done $0x0  }
0x42: {  	[sflag:s24] =	ssyncadd.s32 $0xFFFFFC40  }
0x43: {  	_ =	swait.ge [sflag:s23], $0x3C0  }
0x44: {  	[sflag:s23] =	ssyncset.done $0x0  }
0x45: {  	[sflag:s23] =	ssyncadd.s32 $0xFFFFFC40  }
0x46: {  	_ =	swait.ge [sflag:s24], $0x3C0  }
0x47: {  	s18 =	sand.u32 $0x3E00, s0;
	s0 =	sand.u32 $0x70, s0;
	[sflag:s24] =	ssyncset.done $0x0  }
0x48: {  	s17 =	sshrl.u32 s18, $0x2;
	s19 =	simm.s32 $0x0;
	[sflag:s24] =	ssyncadd.s32 $0xFFFFFC40  }
0x49: {  	s17 =	sor.u32 s0, s17;
	v1 =	vld [tilespmem:s19+$0x0]  }
0x4a: {  	v2 =	vld [tilespmem:s17+$0x2D00];
	_ =	sdelay $0x1  }
0x4b: {  	s20 =	sadd.s32 $0x0, s12  }
0x4c: {  	v3 =	vor.u32 s20, v0  }
0x4d: {  	s18 =	simm.s32 $0x80;
	s21 =	simm.s32 $0x40;
	vm0 =	veq.s32 v1, v3  }
0x4e: {  	s0 =	simm.s32 $0x10;
	s20 =	sand.u32 $0x3E00, s21;
	s19 =	simm.s32 $0x10;
	v1 =	vnsel vm0, $0x2710, v2  }
.LBB2_4:
0x4f: {  	p0 =	sne.s32 s18, $0x3BC0;
	s21 =	sand.u32 $0x70, s0;
	s20 =	sshrl.u32 s20, $0x2;
	[tilespmem:s17+$0x2D00] =	vst v1  }
0x50: {  	v1 =	vld [tilespmem:s19+$0x0];
	s17 =	sor.u32 s21, s20  }
0x51: {  	v2 =	vld [tilespmem:s17+$0x2D00]  }
.Ltmp1:
0x52: {  	(pc) =	sbr.rel @p0 .LBB2_4-.Ltmp1, $4  }
0x53: {  	s19 =	sadd.s32 s0, s12  }
0x54: {  	v3 =	vor.u32 s19, v0  }
0x55: {  	s0 =	sadd.s32 $0x10, s0;
	vm0 =	veq.s32 v1, v3  }
0x56: {  	s20 =	sand.u32 $0x3E00, s18;
	s19 =	sshra.s32 s18, $0x2;
	s18 =	sadd.s32 $0x40, s18;
	v1 =	vnsel vm0, $0x2710, v2  }
0x57: {  	s18 =	sand.u32 $0x70, s0;
	s20 =	sshrl.u32 s20, $0x2;
	[tilespmem:s17+$0x2D00] =	vst v1  }
0x58: {  	v1 =	vld [tilespmem:s19+$0x0];
	s20 =	sor.u32 s18, s20  }
0x59: {  	v2 =	vld [tilespmem:s20+$0x2D00];
	_ =	sdelay $0x1  }
0x5a: {  	s21 =	sadd.s32 s0, s12  }
0x5b: {  	v3 =	vor.u32 s21, v0  }
0x5c: {  	vm0 =	veq.s32 v1, v3  }
0x5d: {  	v1 =	vnsel vm0, $0x2710, v2  }
0x5e: {  	[tilespmem:s20+$0x2D00] =	vst v1  }
0x5f: {  	[tilespmem:s26], [sflag:$0x1] =	stream.indirect.gather [hbm4b:s5+s25], $0x80, s15, s25, $0xb8;
	[tilespmem:$0x1F900] =	vst v63  }
0x60: {  	s18 =	simm.s32 $0xF80  }
0x61: {  	[tilespmem:s28], [sflag:$0x2] =	stream.indirect.gather [hbm4b:s5+s25], $0x80, s18, s25, $0xb8;
	[tilespmem:$0x1F900] =	vst v63  }
0x62: {  	_ =	swait.ge [sflag:s23], $0x4000  }
0x63: {  	[sflag:s23] =	ssyncset.done $0x0  }
0x64: {  	s19 =	simm.s32 $0x2D00;
	[sflag:s23] =	ssyncadd.s32 $0xFFFFC000  }
0x65: {  	[spmem:s2] =	stream.indirect.scatter.add.f32 [tilespmem:s26], [sflag:$0x3], $0x80, s19, s25, $0xb8;
	[tilespmem:$0x1F900] =	vst v63  }
0x66: {  	_ =	swait.ge [sflag:s14], $0x4000  }
0x67: {  	[sflag:s14] =	ssyncset.done $0x0  }
0x68: {  	s20 =	simm.s32 $0x1000;
	[sflag:s14] =	ssyncadd.s32 $0xFFFFC000  }
0x69: {  	[tilespmem:s26], [sflag:$0x1] =	stream.indirect.gather [hbm4b:s5+s25], $0x80, s20, s25, $0xb8;
	[tilespmem:$0x1F900] =	vst v63  }
0x6a: {  	_ =	swait.ge [sflag:s24], $0x4000  }
0x6b: {  	[sflag:s24] =	ssyncset.done $0x0  }
0x6c: {  	s21 =	simm.s32 $0x2D80;
	[sflag:s24] =	ssyncadd.s32 $0xFFFFC000  }
0x6d: {  	[spmem:s2] =	stream.indirect.scatter.add.f32 [tilespmem:s28], [sflag:$0x3], $0x80, s21, s25, $0xb8;
	[tilespmem:$0x1F900] =	vst v63  }
0x6e: {  	_ =	swait.ge [sflag:s14], $0x4000  }
0x6f: {  	s17 =	simm.s32 $0x800;
	s0 =	simm.s32 $0x100;
	[sflag:s14] =	ssyncset.done $0x0  }
.LBB2_6:
0x70: {  	s18 =	sadd.s32 $0xF80, s0  }
0x71: {  	[sflag:s14] =	ssyncadd.s32 $0xFFFFC000;
	s19 =	smov.u32 s17;
	s20 =	sadd.s32 $0x400, s17  }
0x72: {  	[tilespmem:s28], [sflag:$0x2] =	stream.indirect.gather [hbm4b:s5+s25], $0x80, s18, s25, $0xb8;
	[tilespmem:$0x1F900] =	vst v63  }
0x73: {  	p0 =	sne.s32 s17, $0x3400;
	_ =	swait.ge [sflag:s23], $0x4000  }
0x74: {  	[sflag:s23] =	ssyncset.done $0x0  }
0x75: {  	s17 =	sadd.s32 $0x2D00, s0;
	[sflag:s23] =	ssyncadd.s32 $0xFFFFC000  }
0x76: {  	[spmem:s2] =	stream.indirect.scatter.add.f32 [tilespmem:s26], [sflag:$0x3], $0x80, s17, s25, $0xb8;
	[tilespmem:$0x1F900] =	vst v63  }
0x77: {  	_ =	swait.ge [sflag:s14], $0x4000  }
0x78: {  	[sflag:s14] =	ssyncset.done $0x0  }
0x79: {  	s17 =	sadd.s32 $0x1000, s0;
	[sflag:s14] =	ssyncadd.s32 $0xFFFFC000  }
0x7a: {  	[tilespmem:s26], [sflag:$0x1] =	stream.indirect.gather [hbm4b:s5+s25], $0x80, s17, s25, $0xb8;
	[tilespmem:$0x1F900] =	vst v63  }
0x7b: {  	_ =	swait.ge [sflag:s24], $0x4000  }
.Ltmp2:
0x7c: {  	[sflag:s24] =	ssyncset.done $0x0;
	(pc) =	sbr.rel @p0 .LBB2_6-.Ltmp2, $4  }
0x7d: {  	s0 =	sadd.s32 $0x2D80, s0;
	[sflag:s24] =	ssyncadd.s32 $0xFFFFC000  }
0x7e: {  	[spmem:s2] =	stream.indirect.scatter.add.f32 [tilespmem:s28], [sflag:$0x3], $0x80, s0, s25, $0xb8;
	[tilespmem:$0x1F900] =	vst v63  }
0x7f: {  	_ =	swait.ge [sflag:s14], $0x4000  }
0x80: {  	s17 =	smov.u32 s20;
	s0 =	sshra.s32 s19, $0x2;
	[sflag:s14] =	ssyncset.done $0x0  }
0x81: {  	s17 =	sadd.s32 $0xF80, s0;
	[sflag:s14] =	ssyncadd.s32 $0xFFFFC000  }
0x82: {  	[tilespmem:s28], [sflag:$0x2] =	stream.indirect.gather [hbm4b:s5+s25], $0x80, s17, s25, $0xb8;
	[tilespmem:$0x1F900] =	vst v63  }
0x83: {  	_ =	swait.ge [sflag:s23], $0x4000  }
0x84: {  	[sflag:s23] =	ssyncset.done $0x0  }
0x85: {  	s19 =	sadd.s32 $0x2D00, s0;
	[sflag:s23] =	ssyncadd.s32 $0xFFFFC000  }
0x86: {  	[spmem:s2] =	stream.indirect.scatter.add.f32 [tilespmem:s26], [sflag:$0x3], $0x80, s19, s25, $0xb8;
	[tilespmem:$0x1F900] =	vst v63  }
0x87: {  	_ =	swait.ge [sflag:s14], $0x4000  }
0x88: {  	[sflag:s14] =	ssyncset.done $0x0  }
0x89: {  	s20 =	sadd.s32 $0x1000, s0;
	[sflag:s14] =	ssyncadd.s32 $0xFFFFC000  }
0x8a: {  	[tilespmem:s26], [sflag:$0x1] =	stream.indirect.gather [hbm4b:s5+s25], $0x80, s20, s25, $0xb8;
	[tilespmem:$0x1F900] =	vst v63  }
0x8b: {  	_ =	swait.ge [sflag:s24], $0x4000  }
0x8c: {  	[sflag:s24] =	ssyncset.done $0x0  }
0x8d: {  	s21 =	sadd.s32 $0x2D80, s0;
	[sflag:s24] =	ssyncadd.s32 $0xFFFFC000  }
0x8e: {  	[spmem:s2] =	stream.indirect.scatter.add.f32 [tilespmem:s28], [sflag:$0x3], $0x80, s21, s25, $0xb8;
	[tilespmem:$0x1F900] =	vst v63  }
0x8f: {  	_ =	swait.ge [sflag:s14], $0x4000  }
0x90: {  	[sflag:s14] =	ssyncset.done $0x0  }
0x91: {  	[sflag:s14] =	ssyncadd.s32 $0xFFFFC000  }
0x92: {  	[tilespmem:s28], [sflag:$0x2] =	stream.indirect.gather [hbm4b:s5+s25], $0x80, s29, s25, $0xb8;
	[tilespmem:$0x1F900] =	vst v63  }
0x93: {  	_ =	swait.ge [sflag:s23], $0x4000  }
0x94: {  	[sflag:s23] =	ssyncset.done $0x0  }
0x95: {  	[sflag:s23] =	ssyncadd.s32 $0xFFFFC000  }
0x96: {  	[spmem:s2] =	stream.indirect.scatter.add.f32 [tilespmem:s26], [sflag:$0x3], $0x80, s30, s25, $0xb8;
	[tilespmem:$0x1F900] =	vst v63  }
0x97: {  	_ =	swait.ge [sflag:s14], $0x4000  }
0x98: {  	[sflag:s14] =	ssyncset.done $0x0  }
0x99: {  	[sflag:s14] =	ssyncadd.s32 $0xFFFFC000  }
0x9a: {  	_ =	swait.ge [sflag:s24], $0x4000  }
0x9b: {  	[sflag:s24] =	ssyncset.done $0x0  }
0x9c: {  	[sflag:s24] =	ssyncadd.s32 $0xFFFFC000  }
0x9d: {  	[spmem:s2] =	stream.indirect.scatter.add.f32 [tilespmem:s28], [sflag:$0x3], $0x80, s31, s25, $0xb8;
	[tilespmem:$0x1F900] =	vst v63  }
0x9e: {  	_ =	swait.ge [sflag:s14], $0x4000  }
0x9f: {  	s1 =	sadd.s32 $0x1, s1;
	[sflag:s14] =	ssyncset.done $0x0  }
0xa0: {  	p0 =	sne.s32 s1, s11;
	[sflag:s14] =	ssyncadd.s32 $0xFFFFC000  }
.Ltmp3:
0xa1: {  	[bflag:$0x0] =	sbarrier.arrive $0xFFFF;
	(pc) =	sbr.rel @p0 .LBB2_1-.Ltmp3, $4  }
0xa2: {  	[hbm:s10], [sflag:s7] =	dma.local [spmem:s13], $0x2780  }
0xa3: {  	_ =	swait.ge [sflag:s14], $0x2780  }
0xa4: {  	[sflag:s14] =	ssyncset.done $0x0  }
0xa5: {  	[sflag:s14] =	ssyncadd.s32 $0xFFFFD880  }
0xa6: {  	_ =	sfence.sel $0x180000  }
0xa7: {  	[bflag:$0x0] =	sbarrier.arrive $0xFFFF  }
0xa8: {  	_ =	strace $0x9000004A  }
0xa9: {  	s0 =	stileid.u32;
	[bflag:$0x2] =	sbarrier.arrive $0xFFFF  }
0xaa: {  	p0 =	sne.s32 s0, $0x0;
	s0 =	rddreg [dreg:$0x2]  }
0xab: {  	s0 =	sadd.s32 @!p0 $0x100000, s0  }
0xac: {  	[sflag:s0] =	ssyncadd.tile.s32 @!p0 $0x1;
	_ =	shalt  }
.Lfunc_end2:
_tile_overlayer_lowered:
.L_overlay_start_2:
0xad: {  	(tag) =	ssettag $0x2  }
0xae: {  	s0 =	rddreg [dreg:$0x0];
	s2 =	stileid.u32  }
0xaf: {  	s1 =	rddreg [dreg:$0x1];
	p0 =	sne.s32 s2, $0x0  }
0xb0: {  	s3 =	rddreg [dreg:$0x2];
	[bflag:$0x3] =	sbarrier.arrive $0xFFFF;
	s2 =	simm.s32 @!p0 $0x1C03  }
0xb1: {  	[timem:s3], [sflag:s2] =	dma.local @!p0 [hbm:s0], s1  }
0xb2: {  	s0 =	simm.s32 @!p0 $0x3  }
0xb3: {  	_ =	swait.ge @!p0 [sflag:s0], s1  }
0xb4: {  	s1 =	ssub.s32 @!p0 $0x0, s1;
	[sflag:s0] =	ssyncset.done @!p0 $0x0  }
0xb5: {  	[sflag:s0] =	ssyncadd.s32 @!p0 s1  }
0xb6: {  	[bflag:$0x3] =	sbarrier.arrive $0xFFFF  }
0xb7: {  	_ =	shalt  }

</sc_bundles>
